<compile_context>
chip_gen: v7x
topology: tpu7x:2x2x1
jax: 0.10.2.dev20260603
libtpu: 0.0.44.dev20260713+nightly
codegen_flags: <defaults>
</compile_context>

<pallas_src>
import jax
import jax.numpy as jnp
from jax import lax
from jax.experimental import pallas as pl
from jax.experimental.pallas import tpu as pltpu
from jax.experimental.pallas import tpu_sc as plsc

N = 100000
E = 3200000
D = 10
DOUT = 10
DP = 16

NTILES = 32
NPAD = 100096
ROWS = NPAD // NTILES
SHIFT = 131072
CAP = E

ECHUNK = 6400
NECH = E // ECHUNK

SCHUNK = 4000
NSCH = (E // NTILES) // SCHUNK

GCHUNK = 1024

_SC_PARAMS = pltpu.CompilerParams(use_tc_tiling_on_sc=False)



def _prep_body(dst_ref, src_ref, rec_ref, sidx_ref, deg_ref, base_ref):
    c = pl.program_id(0)

    @pl.when(c == 0)
    def _():
        base_ref[...] = jnp.zeros((NTILES, 128), jnp.int32)

    d = dst_ref[0]
    s = src_ref[0]
    df = d.astype(jnp.float32)
    o = jnp.floor(df * (1.0 / ROWS)).astype(jnp.int32)
    o = o - (d < o * ROWS).astype(jnp.int32)
    o = o + (d >= (o + 1) * ROWS).astype(jnp.int32)
    loc = d - o * ROWS
    rec_ref[0] = loc * SHIFT + s

    tids = lax.broadcasted_iota(jnp.int32, (NTILES, ECHUNK), 0)
    oh = (o == tids).astype(jnp.int32)
    cs = oh
    sh = 1
    while sh < ECHUNK:
        z = jnp.zeros((NTILES, sh), jnp.int32)
        cs = cs + jnp.concatenate([z, cs[:, :-sh]], axis=1)
        sh *= 2
    rank = jnp.sum((cs - 1) * oh, axis=0, keepdims=True)
    base = base_ref[:, :1]
    off = jnp.sum(base * oh, axis=0, keepdims=True)
    sidx_ref[0] = o * CAP + off + rank
    tot = cs[:, -1:]
    newbase = base + tot
    base_ref[...] = jnp.broadcast_to(newbase, (NTILES, 128))
    deg_ref[...] = jnp.broadcast_to(newbase, (NTILES, 128))


def _prep(dst3, src3):
    return pl.pallas_call(
        _prep_body,
        grid=(NECH,),
        in_specs=[
            pl.BlockSpec((1, 1, ECHUNK), lambda c: (c, 0, 0)),
            pl.BlockSpec((1, 1, ECHUNK), lambda c: (c, 0, 0)),
        ],
        out_specs=[
            pl.BlockSpec((1, 1, ECHUNK), lambda c: (c, 0, 0)),
            pl.BlockSpec((1, 1, ECHUNK), lambda c: (c, 0, 0)),
            pl.BlockSpec((NTILES, 128), lambda c: (0, 0)),
        ],
        out_shape=[
            jax.ShapeDtypeStruct((NECH, 1, ECHUNK), jnp.int32),
            jax.ShapeDtypeStruct((NECH, 1, ECHUNK), jnp.int32),
            jax.ShapeDtypeStruct((NTILES, 128), jnp.int32),
        ],
        scratch_shapes=[pltpu.VMEM((NTILES, 128), jnp.int32)],
    )(dst3, src3)



RING = 8
LOOK = 4


def _scatter_body(rec_hbm, sidx_hbm, binned_hbm, recbuf, sidxbuf, sem_i, sem_o):
    wid = lax.axis_index("s") * 2 + lax.axis_index("c")
    ebase = wid * (E // NTILES)

    def in_copies(ch):
        slot = lax.rem(ch, RING)
        off = ebase + ch * SCHUNK
        a = pltpu.make_async_copy(rec_hbm.at[pl.ds(off, SCHUNK)], recbuf.at[slot], sem_i)
        b = pltpu.make_async_copy(sidx_hbm.at[pl.ds(off, SCHUNK)], sidxbuf.at[slot], sem_i)
        return a, b

    def out_copy(ch):
        slot = lax.rem(ch, RING)
        return pltpu.make_async_copy(recbuf.at[slot], binned_hbm.at[sidxbuf.at[slot]], sem_o)

    def pro(ch, _):
        a, b = in_copies(ch)
        a.start()
        b.start()
        return 0

    lax.fori_loop(0, LOOK, pro, 0)

    def chunk(ch, _):
        @pl.when(ch >= LOOK)
        def _():
            out_copy(ch - LOOK).wait()

        @pl.when(ch + LOOK < NSCH)
        def _():
            a, b = in_copies(ch + LOOK)
            a.start()
            b.start()

        a, b = in_copies(ch)
        a.wait()
        b.wait()
        out_copy(ch).start()
        return 0

    lax.fori_loop(0, NSCH, chunk, 0)

    def epi(ch, _):
        out_copy(ch).wait()
        return 0

    lax.fori_loop(NSCH - LOOK, NSCH, epi, 0)


def _scatter(rec, sidx):
    mesh = plsc.VectorSubcoreMesh(core_axis_name="c", subcore_axis_name="s")
    return pl.kernel(
        _scatter_body,
        out_type=jax.ShapeDtypeStruct((NTILES * CAP,), jnp.int32),
        mesh=mesh,
        compiler_params=_SC_PARAMS,
        scratch_types=[
            pltpu.VMEM((RING, SCHUNK), jnp.int32),
            pltpu.VMEM((RING, SCHUNK), jnp.int32),
            pltpu.SemaphoreType.DMA,
            pltpu.SemaphoreType.DMA,
        ],
    )(rec, sidx)



def _segmax_body(binned_hbm, deg_hbm, qp_hbm, s_hbm,
                 recbuf, idxbuf, qbuf, acc, degbuf, sem):
    wid = lax.axis_index("s") * 2 + lax.axis_index("c")
    base = wid * ROWS
    lid = lax.iota(jnp.int32, 16)

    neg = jnp.full((DP,), -jnp.inf, dtype=jnp.float32)

    def init_acc(r, _):
        acc[r] = neg
        return 0

    lax.fori_loop(0, ROWS, init_acc, 0)

    pltpu.make_async_copy(deg_hbm, degbuf, sem).start()
    pltpu.make_async_copy(deg_hbm, degbuf, sem).wait()
    k = degbuf[pl.ds(wid, 16)][0]

    nch = (k + (GCHUNK - 1)) // GCHUNK

    def chunk(ch, _):
        off = wid * CAP + ch * GCHUNK
        pltpu.make_async_copy(
            binned_hbm.at[pl.ds(off, GCHUNK)], recbuf.at[pl.ds(0, GCHUNK)], sem
        ).start()
        pltpu.make_async_copy(
            binned_hbm.at[pl.ds(off, GCHUNK)], recbuf.at[pl.ds(0, GCHUNK)], sem
        ).wait()
        kc = jnp.minimum(k - ch * GCHUNK, GCHUNK)

        def mkidx(v, _):
            r16 = recbuf[pl.ds(v * 16, 16)]
            i16 = r16 & (SHIFT - 1)
            valid = (v * 16 + lid) < kc
            idxbuf[pl.ds(v * 16, 16)] = jnp.where(valid, i16, lid)
            return 0

        lax.fori_loop(0, GCHUNK // 16, mkidx, 0)

        pltpu.make_async_copy(qp_hbm.at[idxbuf], qbuf, sem).start()
        pltpu.make_async_copy(qp_hbm.at[idxbuf], qbuf, sem).wait()

        def rmw(j, _):
            r = recbuf[pl.ds(j, 16)][0]
            i = lax.shift_right_logical(r, 17)
            acc[i] = jnp.maximum(acc[i], qbuf[j])
            return 0

        lax.fori_loop(0, kc, rmw, 0)
        return 0

    lax.fori_loop(0, nch, chunk, 0)

    pltpu.sync_copy(acc, s_hbm.at[pl.ds(base, ROWS)])


def _segmax(binned, deg, qp):
    mesh = plsc.VectorSubcoreMesh(core_axis_name="c", subcore_axis_name="s")
    return pl.kernel(
        _segmax_body,
        out_type=jax.ShapeDtypeStruct((NPAD, DP), jnp.float32),
        mesh=mesh,
        compiler_params=_SC_PARAMS,
        scratch_types=[
            pltpu.VMEM((GCHUNK + 16,), jnp.int32),
            pltpu.VMEM((GCHUNK,), jnp.int32),
            pltpu.VMEM((GCHUNK, DP), jnp.float32),
            pltpu.VMEM((ROWS, DP), jnp.float32),
            pltpu.VMEM((48,), jnp.int32),
            pltpu.SemaphoreType.DMA,
        ],
    )(binned, deg, qp)



def _pre_body(x_ref, w1_ref, b1_ref, qp_ref, p2_ref):
    x = x_ref[...]
    w1 = w1_ref[...]
    a = w1[:, :D]
    b = w1[:, D:]
    q = jnp.dot(x, b.T, preferred_element_type=jnp.float32)
    qp_ref[...] = jnp.pad(q, ((0, 0), (0, DP - DOUT)))
    p2_ref[...] = jnp.dot(x, (a - b).T, preferred_element_type=jnp.float32) + b1_ref[...]


def _pre(x, W1, b1):
    BN = 10000
    return pl.pallas_call(
        _pre_body,
        grid=(N // BN,),
        in_specs=[
            pl.BlockSpec((BN, D), lambda i: (i, 0)),
            pl.BlockSpec((DOUT, 2 * D), lambda i: (0, 0)),
            pl.BlockSpec((DOUT,), lambda i: (0,)),
        ],
        out_specs=[
            pl.BlockSpec((BN, DP), lambda i: (i, 0)),
            pl.BlockSpec((BN, DOUT), lambda i: (i, 0)),
        ],
        out_shape=[
            jax.ShapeDtypeStruct((NPAD, DP), jnp.float32),
            jax.ShapeDtypeStruct((N, DOUT), jnp.float32),
        ],
    )(x, W1, b1)


def _post_body(s_ref, p2_ref, w2_ref, b2_ref, out_ref):
    s = s_ref[...][:, :DOUT]
    agg = jnp.where(jnp.isneginf(s), 0.0, p2_ref[...] + s)
    out_ref[...] = jnp.dot(agg, w2_ref[...].T, preferred_element_type=jnp.float32) + b2_ref[...]


def _post(s, p2, W2, b2):
    BN = 10000
    return pl.pallas_call(
        _post_body,
        grid=(N // BN,),
        in_specs=[
            pl.BlockSpec((BN, DP), lambda i: (i, 0)),
            pl.BlockSpec((BN, DOUT), lambda i: (i, 0)),
            pl.BlockSpec((DOUT, DOUT), lambda i: (0, 0)),
            pl.BlockSpec((DOUT,), lambda i: (0,)),
        ],
        out_specs=pl.BlockSpec((BN, DOUT), lambda i: (i, 0)),
        out_shape=jax.ShapeDtypeStruct((N, DOUT), jnp.float32),
    )(s, p2, W2, b2)


def kernel(x, edge_index, mask, W1, b1, W2, b2):
    src = edge_index[0]
    dst = edge_index[1]
    dst3 = dst.reshape(NECH, 1, ECHUNK)
    src3 = src.reshape(NECH, 1, ECHUNK)
    rec3, sidx3, deg2 = _prep(dst3, src3)
    rec = rec3.reshape(E)
    sidx = sidx3.reshape(E)
    deg = jnp.pad(deg2[:, 0], (0, 16))
    binned = _scatter(rec, sidx)
    qp, p2 = _pre(x, W1, b1)
    s = _segmax(binned, deg, qp)
    return _post(s, p2, W2, b2)

# --- scband reference (transcript-rebuilt; emitter-appended) ---
"""Pipeline reference for scband-graph-nn-knn-v0-v1-17970143167393 (READ-ONLY COPY).

The authoritative reference and input builder live on the scoring server;
editing this copy changes nothing except your own understanding.
"""

import jax, jax.numpy as jnp
import numpy as np

N = 100000
E = 3200000
D = 10
DOUT = 10


def setup_inputs(seed: int = 0) -> dict:
    key = jax.random.key(seed)
    k1, k2, k3, k4, k5 = jax.random.split(key, 5)
    x = jax.random.normal(k1, (N, D), dtype=jnp.float32)
    edge_index = jax.random.randint(k2, (2, E), 0, N)
    mask = jax.random.randint(k3, (N,), 0, N)
    # EdgeConv inner MLP: Linear(20, 10)
    W1 = jax.random.normal(k4, (10, 2 * D), dtype=jnp.float32) * (1.0 / np.sqrt(2 * D))
    b1 = jnp.zeros((10,), dtype=jnp.float32)
    # output head: Linear(10, dim_out)
    W2 = jax.random.normal(k5, (DOUT, 10), dtype=jnp.float32) * (1.0 / np.sqrt(10))
    b2 = jnp.zeros((DOUT,), dtype=jnp.float32)
    return {"x": x, "edge_index": edge_index, "mask": mask, "W1": W1, "b1": b1, "W2": W2, "b2": b2}


def reference(x, edge_index, mask, W1, b1, W2, b2):
    # EdgeConv (aggr='max'): for edge (j -> i): msg = nn([x_i, x_j - x_i]); out_i = max_j msg
    src = edge_index[0]  # j (source)
    dst = edge_index[1]  # i (target)
    x_i = jnp.take(x, dst, axis=0)
    x_j = jnp.take(x, src, axis=0)
    msg = jnp.concatenate([x_i, x_j - x_i], axis=-1) @ W1.T + b1
    agg = jax.ops.segment_max(msg, dst, num_segments=N)
    # PyG fills nodes with no incoming edges with 0
    agg = jnp.where(jnp.isneginf(agg), 0.0, agg)
    out = agg @ W2.T + b2
    return out

if __name__ == "__main__":
    import jax
    _d = setup_inputs()
    print(jax.jit(kernel)(*tuple(_d.values())))

</pallas_src>

<mosaic_0001>
#map = affine_map<(d0, d1) -> (0)>
#map1 = affine_map<(d0, d1) -> (0, 0)>
module attributes {stable_mosaic.version = 14 : i64} {
  func.func @_segmax_body(%arg0: i32, %arg1: i32, %arg2: memref<102400000xi32, #tpu.memory_space<hbm>>, %arg3: memref<48xi32, #tpu.memory_space<hbm>>, %arg4: memref<100096x16xf32, #tpu.memory_space<hbm>>, %arg5: memref<100096x16xf32, #tpu.memory_space<hbm>>, %arg6: memref<1040xi32, #tpu.memory_space<vmem>>, %arg7: memref<1024xi32, #tpu.memory_space<vmem>>, %arg8: memref<1024x16xf32, #tpu.memory_space<vmem>>, %arg9: memref<3128x16xf32, #tpu.memory_space<vmem>>, %arg10: memref<48xi32, #tpu.memory_space<vmem>>, %arg11: memref<!tpu.dma_semaphore, #tpu.memory_space<semaphore_mem>>) attributes {dimension_semantics = [#tpu.dimension_semantics<core_parallel>, #tpu.dimension_semantics<subcore_parallel>], iteration_bounds = array<i64: 2, 16>, scalar_prefetch = 0 : i64, scratch_operands = 6 : i64, tpu.core_type = #tpu.core_type<sc_vector_subcore>, window_params = [{transform_indices = #map}, {transform_indices = #map}, {transform_indices = #map1}, {transform_indices = #map1}]} {
    %mul3A = arith.constant 2 : i32
    %mul3A_0 = arith.muli %arg1, %mul3A : i32
    %add3A = arith.addi %mul3A_0, %arg0 : i32
    %mul3A_1 = arith.constant 3128 : i32
    %mul3A_2 = arith.muli %add3A, %mul3A_1 : i32
    %iota3A = tpu.iota {dimensions = array<i32: 0>} : vector<16xi32>
    %broadcast_in_dim3A = arith.constant 0xFF800000 : f32
    %broadcast_in_dim3A_3 = vector.broadcast %broadcast_in_dim3A : f32 to vector<16xf32>
    %scan3A = arith.constant 0 : i32
    %scan3A_4 = arith.constant 0 : i32
    %scan3A_5 = arith.constant 3128 : i32
    %scan3A_6 = arith.addi %scan3A_4, %scan3A_5 : i32
    %scan3A_7 = arith.constant 1 : i32
    %scan3A_8 = scf.for %scan3A_41 = %scan3A_4 to %scan3A_6 step %scan3A_7 iter_args(%scan3A_42 = %scan3A) -> (i32)  : i32 {
      %swap3A = arith.index_cast %scan3A_41 : i32 to index
      %swap3A_43 = arith.constant 0 : index
      %swap3A_44 = tpu.vector_load %arg9[%swap3A, %swap3A_43] {strides = array<i32>} : memref<3128x16xf32, #tpu.memory_space<vmem>>, vector<1x16xf32>,
      %swap3A_45 = vector.shape_cast %swap3A_44 : vector<1x16xf32> to vector<16xf32>
      %swap3A_46 = vector.shape_cast %broadcast_in_dim3A_3 : vector<16xf32> to vector<1x16xf32>
      tpu.vector_store %arg9[%swap3A, %swap3A_43], %swap3A_46 {strides = array<i32>} : memref<3128x16xf32, #tpu.memory_space<vmem>>, vector<1x16xf32>,
      %scan3A_47 = arith.constant 0 : i32
      scf.yield %scan3A_47 : i32
    }
    %scan3A_9 = arith.constant 3128 : i32
    tpu.enqueue_dma source(%arg3 : memref<48xi32, #tpu.memory_space<hbm>>) target(%arg10 : memref<48xi32, #tpu.memory_space<vmem>>) target_semaphore(%arg11 : memref<!tpu.dma_semaphore, #tpu.memory_space<semaphore_mem>>)
    tpu.wait_dma2 semaphore(%arg11 : memref<!tpu.dma_semaphore, #tpu.memory_space<semaphore_mem>>) src(%arg3 : memref<48xi32, #tpu.memory_space<hbm>>) dst(%arg10 : memref<48xi32, #tpu.memory_space<vmem>>)
    %get3A = arith.index_cast %add3A : i32 to index
    %get3A_10 = tpu.vector_load %arg10[%get3A] {strides = array<i32>} : memref<48xi32, #tpu.memory_space<vmem>>, vector<16xi32>,
    %get3A_11 = vector.shape_cast %get3A_10 : vector<16xi32> to vector<16xi32>
    %slice3A = vector.extract_strided_slice %get3A_11 {offsets = [0], sizes = [1], strides = [1]} : vector<16xi32> to vector<1xi32>
    %squeeze3A = vector.extract %slice3A[0] : i32 from vector<1xi32>
    %add3A_12 = arith.constant 1023 : i32
    %add3A_13 = arith.addi %squeeze3A, %add3A_12 : i32
    %jit3A = arith.constant 1024 : i32
    %div3A = arith.divsi %add3A_13, %jit3A : i32
    %sign3A = arith.constant 0 : i32
    %sign3A_14 = arith.cmpi sgt, %add3A_13, %sign3A : i32
    %sign3A_15 = arith.extui %sign3A_14 : i1 to i32
    %sign3A_16 = arith.constant 0 : i32
    %sign3A_17 = arith.cmpi slt, %add3A_13, %sign3A_16 : i32
    %sign3A_18 = arith.extui %sign3A_17 : i1 to i32
    %sign3A_19 = arith.subi %sign3A_15, %sign3A_18 : i32
    %sign3A_20 = arith.constant 0 : i32
    %sign3A_21 = arith.cmpi sgt, %jit3A, %sign3A_20 : i32
    %sign3A_22 = arith.extui %sign3A_21 : i1 to i32
    %sign3A_23 = arith.constant 0 : i32
    %sign3A_24 = arith.cmpi slt, %jit3A, %sign3A_23 : i32
    %sign3A_25 = arith.extui %sign3A_24 : i1 to i32
    %sign3A_26 = arith.subi %sign3A_22, %sign3A_25 : i32
    %ne3A = arith.cmpi ne, %sign3A_19, %sign3A_26 : i32
    %rem3A = arith.remsi %add3A_13, %jit3A : i32
    %ne3A_27 = arith.constant 0 : i32
    %ne3A_28 = arith.cmpi ne, %rem3A, %ne3A_27 : i32
    %and3A = arith.andi %ne3A, %ne3A_28 : i1
    %sub3A = arith.constant 1 : i32
    %sub3A_29 = arith.subi %div3A, %sub3A : i32
    %select_n3A = arith.select %and3A, %sub3A_29, %div3A : i32
    %while3A = arith.constant 0 : i32
    %while3A_30 = arith.constant 0 : i32
    %while3A_31 = arith.subi %select_n3A, %while3A : i32
    %while3A_32 = arith.addi %while3A, %while3A_31 : i32
    %while3A_33 = arith.constant 1 : i32
    %while3A_34 = arith.divsi %while3A_31, %while3A_33 : i32
    %while3A_35 = arith.muli %while3A_34, %while3A_33 : i32
    %while3A_36 = arith.addi %while3A, %while3A_35 : i32
    %while3A_37 = arith.constant 1 : i32
    %while3A_38 = scf.for %while3A_41 = %while3A to %while3A_36 step %while3A_37 iter_args(%while3A_42 = %while3A_30) -> (i32)  : i32 {
      %mul3A_43 = arith.constant 3200000 : i32
      %mul3A_44 = arith.muli %add3A, %mul3A_43 : i32
      %mul3A_45 = arith.constant 1024 : i32
      %mul3A_46 = arith.muli %while3A_41, %mul3A_45 : i32
      %add3A_47 = arith.addi %mul3A_44, %mul3A_46 : i32
      %dma_start3A = arith.constant 0 : i32
      %dma_start3A_48 = tpu.memref_slice %arg6[%dma_start3A] : memref<1040xi32, #tpu.memory_space<vmem>> -> memref<1024xi32, #tpu.memory_space<vmem>>
      %dma_start3A_49 = tpu.memref_slice %arg2[%add3A_47] : memref<102400000xi32, #tpu.memory_space<hbm>> -> memref<1024xi32, #tpu.memory_space<hbm>>
      %dma_start3A_50 = arith.constant 0 : i32
      %dma_start3A_51 = tpu.memref_slice %arg6[%dma_start3A_50] : memref<1040xi32, #tpu.memory_space<vmem>> -> memref<1024xi32, #tpu.memory_space<vmem>>
      %dma_start3A_52 = tpu.memref_slice %arg2[%add3A_47] : memref<102400000xi32, #tpu.memory_space<hbm>> -> memref<1024xi32, #tpu.memory_space<hbm>>
      tpu.enqueue_dma source(%dma_start3A_52 : memref<1024xi32, #tpu.memory_space<hbm>>) target(%dma_start3A_51 : memref<1024xi32, #tpu.memory_space<vmem>>) target_semaphore(%arg11 : memref<!tpu.dma_semaphore, #tpu.memory_space<semaphore_mem>>)
      %dma_wait3A = arith.constant 0 : i32
      %dma_wait3A_53 = tpu.memref_slice %arg6[%dma_wait3A] : memref<1040xi32, #tpu.memory_space<vmem>> -> memref<1024xi32, #tpu.memory_space<vmem>>
      %dma_wait3A_54 = tpu.memref_slice %arg2[%add3A_47] : memref<102400000xi32, #tpu.memory_space<hbm>> -> memref<1024xi32, #tpu.memory_space<hbm>>
      %dma_wait3A_55 = arith.constant 0 : i32
      %dma_wait3A_56 = tpu.memref_slice %arg6[%dma_wait3A_55] : memref<1040xi32, #tpu.memory_space<vmem>> -> memref<1024xi32, #tpu.memory_space<vmem>>
      %dma_wait3A_57 = tpu.memref_slice %arg2[%add3A_47] : memref<102400000xi32, #tpu.memory_space<hbm>> -> memref<1024xi32, #tpu.memory_space<hbm>>
      tpu.wait_dma2 semaphore(%arg11 : memref<!tpu.dma_semaphore, #tpu.memory_space<semaphore_mem>>) src(%dma_wait3A_57 : memref<1024xi32, #tpu.memory_space<hbm>>) dst(%dma_wait3A_56 : memref<1024xi32, #tpu.memory_space<vmem>>)
      %mul3A_58 = arith.constant 1024 : i32
      %mul3A_59 = arith.muli %while3A_41, %mul3A_58 : i32
      %sub3A_60 = arith.subi %squeeze3A, %mul3A_59 : i32
      %min3A = arith.constant 1024 : i32
      %min3A_61 = arith.minsi %sub3A_60, %min3A : i32
      %scan3A_62 = arith.constant 0 : i32
      %scan3A_63 = arith.constant 0 : i32
      %scan3A_64 = arith.constant 64 : i32
      %scan3A_65 = arith.addi %scan3A_63, %scan3A_64 : i32
      %scan3A_66 = arith.constant 1 : i32
      %scan3A_67 = scf.for %scan3A_88 = %scan3A_63 to %scan3A_65 step %scan3A_66 iter_args(%scan3A_89 = %scan3A_62) -> (i32)  : i32 {
        %mul3A_90 = arith.constant 16 : i32
        %mul3A_91 = arith.muli %scan3A_88, %mul3A_90 : i32
        %get3A_92 = arith.index_cast %mul3A_91 : i32 to index
        %get3A_93 = tpu.vector_load %arg6[%get3A_92] {strides = array<i32>} : memref<1040xi32, #tpu.memory_space<vmem>>, vector<16xi32>,
        %get3A_94 = vector.shape_cast %get3A_93 : vector<16xi32> to vector<16xi32>
        %and3A_95 = arith.constant 131071 : i32
        %and3A_96 = vector.broadcast %and3A_95 : i32 to vector<16xi32>
        %and3A_97 = arith.andi %get3A_94, %and3A_96 : vector<16xi32>
        %mul3A_98 = arith.constant 16 : i32
        %mul3A_99 = arith.muli %scan3A_88, %mul3A_98 : i32
        %add3A_100 = vector.broadcast %mul3A_99 : i32 to vector<16xi32>
        %add3A_101 = arith.addi %add3A_100, %iota3A : vector<16xi32>
        %lt3A = vector.broadcast %min3A_61 : i32 to vector<16xi32>
        %lt3A_102 = arith.cmpi slt, %add3A_101, %lt3A : vector<16xi32>
        %select_n3A_103 = arith.select %lt3A_102, %and3A_97, %iota3A : vector<16xi1>, vector<16xi32>
        %mul3A_104 = arith.constant 16 : i32
        %mul3A_105 = arith.muli %scan3A_88, %mul3A_104 : i32
        %swap3A = arith.index_cast %mul3A_105 : i32 to index
        %swap3A_106 = tpu.vector_load %arg7[%swap3A] {strides = array<i32>} : memref<1024xi32, #tpu.memory_space<vmem>>, vector<16xi32>,
        %swap3A_107 = vector.shape_cast %swap3A_106 : vector<16xi32> to vector<16xi32>
        %swap3A_108 = vector.shape_cast %select_n3A_103 : vector<16xi32> to vector<16xi32>
        tpu.vector_store %arg7[%swap3A], %swap3A_108 {strides = array<i32>} : memref<1024xi32, #tpu.memory_space<vmem>>, vector<16xi32>,
        %scan3A_109 = arith.constant 0 : i32
        scf.yield %scan3A_109 : i32
      }
      %scan3A_68 = arith.constant 64 : i32
      %dma_start3A_69 = arith.constant 0 : i32
      %dma_start3A_70 = arith.constant 0 : i32
      %dma_start3A_71 = tpu.memref_slice %arg4[%dma_start3A_69, %dma_start3A_70] : memref<100096x16xf32, #tpu.memory_space<hbm>> -> memref<100096x16xf32, #tpu.memory_space<hbm>>
      tpu.enqueue_indirect_dma source(%dma_start3A_71 : memref<100096x16xf32, #tpu.memory_space<hbm>>) target(%arg8 : memref<1024x16xf32, #tpu.memory_space<vmem>>) offsets(%arg7 : memref<1024xi32, #tpu.memory_space<vmem>>) semaphore(%arg11 : memref<!tpu.dma_semaphore, #tpu.memory_space<semaphore_mem>>)
      %dma_wait3A_72 = arith.constant 0 : i32
      %dma_wait3A_73 = arith.constant 0 : i32
      %dma_wait3A_74 = tpu.memref_slice %arg4[%dma_wait3A_72, %dma_wait3A_73] : memref<100096x16xf32, #tpu.memory_space<hbm>> -> memref<100096x16xf32, #tpu.memory_space<hbm>>
      tpu.wait_indirect_dma semaphore(%arg11 : memref<!tpu.dma_semaphore, #tpu.memory_space<semaphore_mem>>) src(%dma_wait3A_74 : memref<100096x16xf32, #tpu.memory_space<hbm>>) dst(%arg8 : memref<1024x16xf32, #tpu.memory_space<vmem>>)
      %while3A_75 = arith.constant 0 : i32
      %while3A_76 = arith.constant 0 : i32
      %while3A_77 = arith.subi %min3A_61, %while3A_75 : i32
      %while3A_78 = arith.addi %while3A_75, %while3A_77 : i32
      %while3A_79 = arith.constant 1 : i32
      %while3A_80 = arith.divsi %while3A_77, %while3A_79 : i32
      %while3A_81 = arith.muli %while3A_80, %while3A_79 : i32
      %while3A_82 = arith.addi %while3A_75, %while3A_81 : i32
      %while3A_83 = arith.constant 1 : i32
      %while3A_84 = scf.for %while3A_88 = %while3A_75 to %while3A_82 step %while3A_83 iter_args(%while3A_89 = %while3A_76) -> (i32)  : i32 {
        %get3A_90 = arith.index_cast %while3A_88 : i32 to index
        %get3A_91 = tpu.vector_load %arg6[%get3A_90] {strides = array<i32>} : memref<1040xi32, #tpu.memory_space<vmem>>, vector<16xi32>,
        %get3A_92 = vector.shape_cast %get3A_91 : vector<16xi32> to vector<16xi32>
        %slice3A_93 = vector.extract_strided_slice %get3A_92 {offsets = [0], sizes = [1], strides = [1]} : vector<16xi32> to vector<1xi32>
        %squeeze3A_94 = vector.extract %slice3A_93[0] : i32 from vector<1xi32>
        %shift_right_logical3A = arith.constant 17 : i32
        %shift_right_logical3A_95 = arith.shrui %squeeze3A_94, %shift_right_logical3A : i32
        %get3A_96 = arith.index_cast %shift_right_logical3A_95 : i32 to index
        %get3A_97 = arith.constant 0 : index
        %get3A_98 = tpu.vector_load %arg9[%get3A_96, %get3A_97] {strides = array<i32>} : memref<3128x16xf32, #tpu.memory_space<vmem>>, vector<1x16xf32>,
        %get3A_99 = vector.shape_cast %get3A_98 : vector<1x16xf32> to vector<16xf32>
        %get3A_100 = arith.index_cast %while3A_88 : i32 to index
        %get3A_101 = arith.constant 0 : index
        %get3A_102 = tpu.vector_load %arg8[%get3A_100, %get3A_101] {strides = array<i32>} : memref<1024x16xf32, #tpu.memory_space<vmem>>, vector<1x16xf32>,
        %get3A_103 = vector.shape_cast %get3A_102 : vector<1x16xf32> to vector<16xf32>
        %max3A = arith.maximumf %get3A_99, %get3A_103 : vector<16xf32>
        %swap3A = arith.index_cast %shift_right_logical3A_95 : i32 to index
        %swap3A_104 = arith.constant 0 : index
        %swap3A_105 = tpu.vector_load %arg9[%swap3A, %swap3A_104] {strides = array<i32>} : memref<3128x16xf32, #tpu.memory_space<vmem>>, vector<1x16xf32>,
        %swap3A_106 = vector.shape_cast %swap3A_105 : vector<1x16xf32> to vector<16xf32>
        %swap3A_107 = vector.shape_cast %max3A : vector<16xf32> to vector<1x16xf32>
        tpu.vector_store %arg9[%swap3A, %swap3A_104], %swap3A_107 {strides = array<i32>} : memref<3128x16xf32, #tpu.memory_space<vmem>>, vector<1x16xf32>,
        %while3A_108 = arith.constant 0 : i32
        scf.yield %while3A_108 : i32
      }
      %while3A_85 = arith.constant 1 : i32
      %while3A_86 = scf.for %while3A_88 = %while3A_82 to %while3A_78 step %while3A_85 iter_args(%while3A_89 = %while3A_84) -> (i32)  : i32 {
        %get3A_90 = arith.index_cast %while3A_88 : i32 to index
        %get3A_91 = tpu.vector_load %arg6[%get3A_90] {strides = array<i32>} : memref<1040xi32, #tpu.memory_space<vmem>>, vector<16xi32>,
        %get3A_92 = vector.shape_cast %get3A_91 : vector<16xi32> to vector<16xi32>
        %slice3A_93 = vector.extract_strided_slice %get3A_92 {offsets = [0], sizes = [1], strides = [1]} : vector<16xi32> to vector<1xi32>
        %squeeze3A_94 = vector.extract %slice3A_93[0] : i32 from vector<1xi32>
        %shift_right_logical3A = arith.constant 17 : i32
        %shift_right_logical3A_95 = arith.shrui %squeeze3A_94, %shift_right_logical3A : i32
        %get3A_96 = arith.index_cast %shift_right_logical3A_95 : i32 to index
        %get3A_97 = arith.constant 0 : index
        %get3A_98 = tpu.vector_load %arg9[%get3A_96, %get3A_97] {strides = array<i32>} : memref<3128x16xf32, #tpu.memory_space<vmem>>, vector<1x16xf32>,
        %get3A_99 = vector.shape_cast %get3A_98 : vector<1x16xf32> to vector<16xf32>
        %get3A_100 = arith.index_cast %while3A_88 : i32 to index
        %get3A_101 = arith.constant 0 : index
        %get3A_102 = tpu.vector_load %arg8[%get3A_100, %get3A_101] {strides = array<i32>} : memref<1024x16xf32, #tpu.memory_space<vmem>>, vector<1x16xf32>,
        %get3A_103 = vector.shape_cast %get3A_102 : vector<1x16xf32> to vector<16xf32>
        %max3A = arith.maximumf %get3A_99, %get3A_103 : vector<16xf32>
        %swap3A = arith.index_cast %shift_right_logical3A_95 : i32 to index
        %swap3A_104 = arith.constant 0 : index
        %swap3A_105 = tpu.vector_load %arg9[%swap3A, %swap3A_104] {strides = array<i32>} : memref<3128x16xf32, #tpu.memory_space<vmem>>, vector<1x16xf32>,
        %swap3A_106 = vector.shape_cast %swap3A_105 : vector<1x16xf32> to vector<16xf32>
        %swap3A_107 = vector.shape_cast %max3A : vector<16xf32> to vector<1x16xf32>
        tpu.vector_store %arg9[%swap3A, %swap3A_104], %swap3A_107 {strides = array<i32>} : memref<3128x16xf32, #tpu.memory_space<vmem>>, vector<1x16xf32>,
        %while3A_108 = arith.constant 0 : i32
        scf.yield %while3A_108 : i32
      }
      %while3A_87 = arith.constant 0 : i32
      scf.yield %while3A_87 : i32
    }
    %while3A_39 = arith.constant 1 : i32
    %while3A_40 = scf.for %while3A_41 = %while3A_36 to %while3A_32 step %while3A_39 iter_args(%while3A_42 = %while3A_38) -> (i32)  : i32 {
      %mul3A_43 = arith.constant 3200000 : i32
      %mul3A_44 = arith.muli %add3A, %mul3A_43 : i32
      %mul3A_45 = arith.constant 1024 : i32
      %mul3A_46 = arith.muli %while3A_41, %mul3A_45 : i32
      %add3A_47 = arith.addi %mul3A_44, %mul3A_46 : i32
      %dma_start3A = arith.constant 0 : i32
      %dma_start3A_48 = tpu.memref_slice %arg6[%dma_start3A] : memref<1040xi32, #tpu.memory_space<vmem>> -> memref<1024xi32, #tpu.memory_space<vmem>>
      %dma_start3A_49 = tpu.memref_slice %arg2[%add3A_47] : memref<102400000xi32, #tpu.memory_space<hbm>> -> memref<1024xi32, #tpu.memory_space<hbm>>
      %dma_start3A_50 = arith.constant 0 : i32
      %dma_start3A_51 = tpu.memref_slice %arg6[%dma_start3A_50] : memref<1040xi32, #tpu.memory_space<vmem>> -> memref<1024xi32, #tpu.memory_space<vmem>>
      %dma_start3A_52 = tpu.memref_slice %arg2[%add3A_47] : memref<102400000xi32, #tpu.memory_space<hbm>> -> memref<1024xi32, #tpu.memory_space<hbm>>
      tpu.enqueue_dma source(%dma_start3A_52 : memref<1024xi32, #tpu.memory_space<hbm>>) target(%dma_start3A_51 : memref<1024xi32, #tpu.memory_space<vmem>>) target_semaphore(%arg11 : memref<!tpu.dma_semaphore, #tpu.memory_space<semaphore_mem>>)
      %dma_wait3A = arith.constant 0 : i32
      %dma_wait3A_53 = tpu.memref_slice %arg6[%dma_wait3A] : memref<1040xi32, #tpu.memory_space<vmem>> -> memref<1024xi32, #tpu.memory_space<vmem>>
      %dma_wait3A_54 = tpu.memref_slice %arg2[%add3A_47] : memref<102400000xi32, #tpu.memory_space<hbm>> -> memref<1024xi32, #tpu.memory_space<hbm>>
      %dma_wait3A_55 = arith.constant 0 : i32
      %dma_wait3A_56 = tpu.memref_slice %arg6[%dma_wait3A_55] : memref<1040xi32, #tpu.memory_space<vmem>> -> memref<1024xi32, #tpu.memory_space<vmem>>
      %dma_wait3A_57 = tpu.memref_slice %arg2[%add3A_47] : memref<102400000xi32, #tpu.memory_space<hbm>> -> memref<1024xi32, #tpu.memory_space<hbm>>
      tpu.wait_dma2 semaphore(%arg11 : memref<!tpu.dma_semaphore, #tpu.memory_space<semaphore_mem>>) src(%dma_wait3A_57 : memref<1024xi32, #tpu.memory_space<hbm>>) dst(%dma_wait3A_56 : memref<1024xi32, #tpu.memory_space<vmem>>)
      %mul3A_58 = arith.constant 1024 : i32
      %mul3A_59 = arith.muli %while3A_41, %mul3A_58 : i32
      %sub3A_60 = arith.subi %squeeze3A, %mul3A_59 : i32
      %min3A = arith.constant 1024 : i32
      %min3A_61 = arith.minsi %sub3A_60, %min3A : i32
      %scan3A_62 = arith.constant 0 : i32
      %scan3A_63 = arith.constant 0 : i32
      %scan3A_64 = arith.constant 64 : i32
      %scan3A_65 = arith.addi %scan3A_63, %scan3A_64 : i32
      %scan3A_66 = arith.constant 1 : i32
      %scan3A_67 = scf.for %scan3A_88 = %scan3A_63 to %scan3A_65 step %scan3A_66 iter_args(%scan3A_89 = %scan3A_62) -> (i32)  : i32 {
        %mul3A_90 = arith.constant 16 : i32
        %mul3A_91 = arith.muli %scan3A_88, %mul3A_90 : i32
        %get3A_92 = arith.index_cast %mul3A_91 : i32 to index
        %get3A_93 = tpu.vector_load %arg6[%get3A_92] {strides = array<i32>} : memref<1040xi32, #tpu.memory_space<vmem>>, vector<16xi32>,
        %get3A_94 = vector.shape_cast %get3A_93 : vector<16xi32> to vector<16xi32>
        %and3A_95 = arith.constant 131071 : i32
        %and3A_96 = vector.broadcast %and3A_95 : i32 to vector<16xi32>
        %and3A_97 = arith.andi %get3A_94, %and3A_96 : vector<16xi32>
        %mul3A_98 = arith.constant 16 : i32
        %mul3A_99 = arith.muli %scan3A_88, %mul3A_98 : i32
        %add3A_100 = vector.broadcast %mul3A_99 : i32 to vector<16xi32>
        %add3A_101 = arith.addi %add3A_100, %iota3A : vector<16xi32>
        %lt3A = vector.broadcast %min3A_61 : i32 to vector<16xi32>
        %lt3A_102 = arith.cmpi slt, %add3A_101, %lt3A : vector<16xi32>
        %select_n3A_103 = arith.select %lt3A_102, %and3A_97, %iota3A : vector<16xi1>, vector<16xi32>
        %mul3A_104 = arith.constant 16 : i32
        %mul3A_105 = arith.muli %scan3A_88, %mul3A_104 : i32
        %swap3A = arith.index_cast %mul3A_105 : i32 to index
        %swap3A_106 = tpu.vector_load %arg7[%swap3A] {strides = array<i32>} : memref<1024xi32, #tpu.memory_space<vmem>>, vector<16xi32>,
        %swap3A_107 = vector.shape_cast %swap3A_106 : vector<16xi32> to vector<16xi32>
        %swap3A_108 = vector.shape_cast %select_n3A_103 : vector<16xi32> to vector<16xi32>
        tpu.vector_store %arg7[%swap3A], %swap3A_108 {strides = array<i32>} : memref<1024xi32, #tpu.memory_space<vmem>>, vector<16xi32>,
        %scan3A_109 = arith.constant 0 : i32
        scf.yield %scan3A_109 : i32
      }
      %scan3A_68 = arith.constant 64 : i32
      %dma_start3A_69 = arith.constant 0 : i32
      %dma_start3A_70 = arith.constant 0 : i32
      %dma_start3A_71 = tpu.memref_slice %arg4[%dma_start3A_69, %dma_start3A_70] : memref<100096x16xf32, #tpu.memory_space<hbm>> -> memref<100096x16xf32, #tpu.memory_space<hbm>>
      tpu.enqueue_indirect_dma source(%dma_start3A_71 : memref<100096x16xf32, #tpu.memory_space<hbm>>) target(%arg8 : memref<1024x16xf32, #tpu.memory_space<vmem>>) offsets(%arg7 : memref<1024xi32, #tpu.memory_space<vmem>>) semaphore(%arg11 : memref<!tpu.dma_semaphore, #tpu.memory_space<semaphore_mem>>)
      %dma_wait3A_72 = arith.constant 0 : i32
      %dma_wait3A_73 = arith.constant 0 : i32
      %dma_wait3A_74 = tpu.memref_slice %arg4[%dma_wait3A_72, %dma_wait3A_73] : memref<100096x16xf32, #tpu.memory_space<hbm>> -> memref<100096x16xf32, #tpu.memory_space<hbm>>
      tpu.wait_indirect_dma semaphore(%arg11 : memref<!tpu.dma_semaphore, #tpu.memory_space<semaphore_mem>>) src(%dma_wait3A_74 : memref<100096x16xf32, #tpu.memory_space<hbm>>) dst(%arg8 : memref<1024x16xf32, #tpu.memory_space<vmem>>)
      %while3A_75 = arith.constant 0 : i32
      %while3A_76 = arith.constant 0 : i32
      %while3A_77 = arith.subi %min3A_61, %while3A_75 : i32
      %while3A_78 = arith.addi %while3A_75, %while3A_77 : i32
      %while3A_79 = arith.constant 1 : i32
      %while3A_80 = arith.divsi %while3A_77, %while3A_79 : i32
      %while3A_81 = arith.muli %while3A_80, %while3A_79 : i32
      %while3A_82 = arith.addi %while3A_75, %while3A_81 : i32
      %while3A_83 = arith.constant 1 : i32
      %while3A_84 = scf.for %while3A_88 = %while3A_75 to %while3A_82 step %while3A_83 iter_args(%while3A_89 = %while3A_76) -> (i32)  : i32 {
        %get3A_90 = arith.index_cast %while3A_88 : i32 to index
        %get3A_91 = tpu.vector_load %arg6[%get3A_90] {strides = array<i32>} : memref<1040xi32, #tpu.memory_space<vmem>>, vector<16xi32>,
        %get3A_92 = vector.shape_cast %get3A_91 : vector<16xi32> to vector<16xi32>
        %slice3A_93 = vector.extract_strided_slice %get3A_92 {offsets = [0], sizes = [1], strides = [1]} : vector<16xi32> to vector<1xi32>
        %squeeze3A_94 = vector.extract %slice3A_93[0] : i32 from vector<1xi32>
        %shift_right_logical3A = arith.constant 17 : i32
        %shift_right_logical3A_95 = arith.shrui %squeeze3A_94, %shift_right_logical3A : i32
        %get3A_96 = arith.index_cast %shift_right_logical3A_95 : i32 to index
        %get3A_97 = arith.constant 0 : index
        %get3A_98 = tpu.vector_load %arg9[%get3A_96, %get3A_97] {strides = array<i32>} : memref<3128x16xf32, #tpu.memory_space<vmem>>, vector<1x16xf32>,
        %get3A_99 = vector.shape_cast %get3A_98 : vector<1x16xf32> to vector<16xf32>
        %get3A_100 = arith.index_cast %while3A_88 : i32 to index
        %get3A_101 = arith.constant 0 : index
        %get3A_102 = tpu.vector_load %arg8[%get3A_100, %get3A_101] {strides = array<i32>} : memref<1024x16xf32, #tpu.memory_space<vmem>>, vector<1x16xf32>,
        %get3A_103 = vector.shape_cast %get3A_102 : vector<1x16xf32> to vector<16xf32>
        %max3A = arith.maximumf %get3A_99, %get3A_103 : vector<16xf32>
        %swap3A = arith.index_cast %shift_right_logical3A_95 : i32 to index
        %swap3A_104 = arith.constant 0 : index
        %swap3A_105 = tpu.vector_load %arg9[%swap3A, %swap3A_104] {strides = array<i32>} : memref<3128x16xf32, #tpu.memory_space<vmem>>, vector<1x16xf32>,
        %swap3A_106 = vector.shape_cast %swap3A_105 : vector<1x16xf32> to vector<16xf32>
        %swap3A_107 = vector.shape_cast %max3A : vector<16xf32> to vector<1x16xf32>
        tpu.vector_store %arg9[%swap3A, %swap3A_104], %swap3A_107 {strides = array<i32>} : memref<3128x16xf32, #tpu.memory_space<vmem>>, vector<1x16xf32>,
        %while3A_108 = arith.constant 0 : i32
        scf.yield %while3A_108 : i32
      }
      %while3A_85 = arith.constant 1 : i32
      %while3A_86 = scf.for %while3A_88 = %while3A_82 to %while3A_78 step %while3A_85 iter_args(%while3A_89 = %while3A_84) -> (i32)  : i32 {
        %get3A_90 = arith.index_cast %while3A_88 : i32 to index
        %get3A_91 = tpu.vector_load %arg6[%get3A_90] {strides = array<i32>} : memref<1040xi32, #tpu.memory_space<vmem>>, vector<16xi32>,
        %get3A_92 = vector.shape_cast %get3A_91 : vector<16xi32> to vector<16xi32>
        %slice3A_93 = vector.extract_strided_slice %get3A_92 {offsets = [0], sizes = [1], strides = [1]} : vector<16xi32> to vector<1xi32>
        %squeeze3A_94 = vector.extract %slice3A_93[0] : i32 from vector<1xi32>
        %shift_right_logical3A = arith.constant 17 : i32
        %shift_right_logical3A_95 = arith.shrui %squeeze3A_94, %shift_right_logical3A : i32
        %get3A_96 = arith.index_cast %shift_right_logical3A_95 : i32 to index
        %get3A_97 = arith.constant 0 : index
        %get3A_98 = tpu.vector_load %arg9[%get3A_96, %get3A_97] {strides = array<i32>} : memref<3128x16xf32, #tpu.memory_space<vmem>>, vector<1x16xf32>,
        %get3A_99 = vector.shape_cast %get3A_98 : vector<1x16xf32> to vector<16xf32>
        %get3A_100 = arith.index_cast %while3A_88 : i32 to index
        %get3A_101 = arith.constant 0 : index
        %get3A_102 = tpu.vector_load %arg8[%get3A_100, %get3A_101] {strides = array<i32>} : memref<1024x16xf32, #tpu.memory_space<vmem>>, vector<1x16xf32>,
        %get3A_103 = vector.shape_cast %get3A_102 : vector<1x16xf32> to vector<16xf32>
        %max3A = arith.maximumf %get3A_99, %get3A_103 : vector<16xf32>
        %swap3A = arith.index_cast %shift_right_logical3A_95 : i32 to index
        %swap3A_104 = arith.constant 0 : index
        %swap3A_105 = tpu.vector_load %arg9[%swap3A, %swap3A_104] {strides = array<i32>} : memref<3128x16xf32, #tpu.memory_space<vmem>>, vector<1x16xf32>,
        %swap3A_106 = vector.shape_cast %swap3A_105 : vector<1x16xf32> to vector<16xf32>
        %swap3A_107 = vector.shape_cast %max3A : vector<16xf32> to vector<1x16xf32>
        tpu.vector_store %arg9[%swap3A, %swap3A_104], %swap3A_107 {strides = array<i32>} : memref<3128x16xf32, #tpu.memory_space<vmem>>, vector<1x16xf32>,
        %while3A_108 = arith.constant 0 : i32
        scf.yield %while3A_108 : i32
      }
      %while3A_87 = arith.constant 0 : i32
      scf.yield %while3A_87 : i32
    }
    "tpu.region"() ({
      %run_scoped3A = tpu.sem_alloc : memref<!tpu.dma_semaphore, #tpu.memory_space<semaphore_mem>>
      %dma_start3A = arith.constant 0 : i32
      %dma_start3A_41 = tpu.memref_slice %arg5[%mul3A_2, %dma_start3A] : memref<100096x16xf32, #tpu.memory_space<hbm>> -> memref<3128x16xf32, #tpu.memory_space<hbm>>
      %dma_start3A_42 = arith.constant 0 : i32
      %dma_start3A_43 = tpu.memref_slice %arg5[%mul3A_2, %dma_start3A_42] : memref<100096x16xf32, #tpu.memory_space<hbm>> -> memref<3128x16xf32, #tpu.memory_space<hbm>>
      tpu.enqueue_dma source(%arg9 : memref<3128x16xf32, #tpu.memory_space<vmem>>) target(%dma_start3A_43 : memref<3128x16xf32, #tpu.memory_space<hbm>>) target_semaphore(%run_scoped3A : memref<!tpu.dma_semaphore, #tpu.memory_space<semaphore_mem>>)
      %dma_wait3A = arith.constant 0 : i32
      %dma_wait3A_44 = tpu.memref_slice %arg5[%mul3A_2, %dma_wait3A] : memref<100096x16xf32, #tpu.memory_space<hbm>> -> memref<3128x16xf32, #tpu.memory_space<hbm>>
      %dma_wait3A_45 = arith.constant 0 : i32
      %dma_wait3A_46 = tpu.memref_slice %arg5[%mul3A_2, %dma_wait3A_45] : memref<100096x16xf32, #tpu.memory_space<hbm>> -> memref<3128x16xf32, #tpu.memory_space<hbm>>
      tpu.wait_dma2 semaphore(%run_scoped3A : memref<!tpu.dma_semaphore, #tpu.memory_space<semaphore_mem>>) src(%arg9 : memref<3128x16xf32, #tpu.memory_space<vmem>>) dst(%dma_wait3A_46 : memref<3128x16xf32, #tpu.memory_space<hbm>>)
      tpu.yield
    }) : () -> ()
    return
  }
}

#map = affine_map<(d0, d1) -> (0)>
module attributes {stable_mosaic.version = 14 : i64} {
  func.func @_scatter_body(%arg0: i32, %arg1: i32, %arg2: memref<3200000xi32, #tpu.memory_space<hbm>>, %arg3: memref<3200000xi32, #tpu.memory_space<hbm>>, %arg4: memref<102400000xi32, #tpu.memory_space<hbm>>, %arg5: memref<8x4000xi32, #tpu.memory_space<vmem>>, %arg6: memref<8x4000xi32, #tpu.memory_space<vmem>>, %arg7: memref<!tpu.dma_semaphore, #tpu.memory_space<semaphore_mem>>, %arg8: memref<!tpu.dma_semaphore, #tpu.memory_space<semaphore_mem>>) attributes {dimension_semantics = [#tpu.dimension_semantics<core_parallel>, #tpu.dimension_semantics<subcore_parallel>], iteration_bounds = array<i64: 2, 16>, scalar_prefetch = 0 : i64, scratch_operands = 4 : i64, tpu.core_type = #tpu.core_type<sc_vector_subcore>, window_params = [{transform_indices = #map}, {transform_indices = #map}, {transform_indices = #map}]} {
    %mul3A = arith.constant 2 : i32
    %mul3A_0 = arith.muli %arg1, %mul3A : i32
    %add3A = arith.addi %mul3A_0, %arg0 : i32
    %mul3A_1 = arith.constant 100000 : i32
    %mul3A_2 = arith.muli %add3A, %mul3A_1 : i32
    %scan3A = arith.constant 0 : i32
    %scan3A_3 = arith.constant 0 : i32
    %scan3A_4 = arith.constant 4 : i32
    %scan3A_5 = arith.addi %scan3A_3, %scan3A_4 : i32
    %scan3A_6 = arith.constant 1 : i32
    %scan3A_7 = scf.for %scan3A_23 = %scan3A_3 to %scan3A_5 step %scan3A_6 iter_args(%scan3A_24 = %scan3A) -> (i32)  : i32 {
      %rem3A = arith.constant 8 : i32
      %rem3A_25 = arith.remsi %scan3A_23, %rem3A : i32
      %mul3A_26 = arith.constant 4000 : i32
      %mul3A_27 = arith.muli %scan3A_23, %mul3A_26 : i32
      %add3A_28 = arith.addi %mul3A_2, %mul3A_27 : i32
      %dma_start3A = arith.constant 0 : i32
      %dma_start3A_29 = tpu.memref_slice %arg5[%rem3A_25, %dma_start3A] : memref<8x4000xi32, #tpu.memory_space<vmem>> -> memref<1x4000xi32, #tpu.memory_space<vmem>>
      %dma_start3A_30 = tpu.memref_squeeze %dma_start3A_29 : memref<1x4000xi32, #tpu.memory_space<vmem>> -> memref<4000xi32, #tpu.memory_space<vmem>>
      %dma_start3A_31 = tpu.memref_slice %arg2[%add3A_28] : memref<3200000xi32, #tpu.memory_space<hbm>> -> memref<4000xi32, #tpu.memory_space<hbm>>
      %dma_start3A_32 = arith.constant 0 : i32
      %dma_start3A_33 = tpu.memref_slice %arg5[%rem3A_25, %dma_start3A_32] : memref<8x4000xi32, #tpu.memory_space<vmem>> -> memref<1x4000xi32, #tpu.memory_space<vmem>>
      %dma_start3A_34 = tpu.memref_squeeze %dma_start3A_33 : memref<1x4000xi32, #tpu.memory_space<vmem>> -> memref<4000xi32, #tpu.memory_space<vmem>>
      %dma_start3A_35 = tpu.memref_slice %arg2[%add3A_28] : memref<3200000xi32, #tpu.memory_space<hbm>> -> memref<4000xi32, #tpu.memory_space<hbm>>
      tpu.enqueue_dma source(%dma_start3A_35 : memref<4000xi32, #tpu.memory_space<hbm>>) target(%dma_start3A_34 : memref<4000xi32, #tpu.memory_space<vmem>>) target_semaphore(%arg7 : memref<!tpu.dma_semaphore, #tpu.memory_space<semaphore_mem>>)
      %dma_start3A_36 = arith.constant 0 : i32
      %dma_start3A_37 = tpu.memref_slice %arg6[%rem3A_25, %dma_start3A_36] : memref<8x4000xi32, #tpu.memory_space<vmem>> -> memref<1x4000xi32, #tpu.memory_space<vmem>>
      %dma_start3A_38 = tpu.memref_squeeze %dma_start3A_37 : memref<1x4000xi32, #tpu.memory_space<vmem>> -> memref<4000xi32, #tpu.memory_space<vmem>>
      %dma_start3A_39 = tpu.memref_slice %arg3[%add3A_28] : memref<3200000xi32, #tpu.memory_space<hbm>> -> memref<4000xi32, #tpu.memory_space<hbm>>
      %dma_start3A_40 = arith.constant 0 : i32
      %dma_start3A_41 = tpu.memref_slice %arg6[%rem3A_25, %dma_start3A_40] : memref<8x4000xi32, #tpu.memory_space<vmem>> -> memref<1x4000xi32, #tpu.memory_space<vmem>>
      %dma_start3A_42 = tpu.memref_squeeze %dma_start3A_41 : memref<1x4000xi32, #tpu.memory_space<vmem>> -> memref<4000xi32, #tpu.memory_space<vmem>>
      %dma_start3A_43 = tpu.memref_slice %arg3[%add3A_28] : memref<3200000xi32, #tpu.memory_space<hbm>> -> memref<4000xi32, #tpu.memory_space<hbm>>
      tpu.enqueue_dma source(%dma_start3A_43 : memref<4000xi32, #tpu.memory_space<hbm>>) target(%dma_start3A_42 : memref<4000xi32, #tpu.memory_space<vmem>>) target_semaphore(%arg7 : memref<!tpu.dma_semaphore, #tpu.memory_space<semaphore_mem>>)
      %scan3A_44 = arith.constant 0 : i32
      scf.yield %scan3A_44 : i32
    }
    %scan3A_8 = arith.constant 4 : i32
    %scan3A_9 = arith.constant 0 : i32
    %scan3A_10 = arith.constant 0 : i32
    %scan3A_11 = arith.constant 25 : i32
    %scan3A_12 = arith.addi %scan3A_10, %scan3A_11 : i32
    %scan3A_13 = arith.constant 1 : i32
    %scan3A_14 = scf.for %scan3A_23 = %scan3A_10 to %scan3A_12 step %scan3A_13 iter_args(%scan3A_24 = %scan3A_9) -> (i32)  : i32 {
      %ge3A = arith.constant 4 : i32
      %ge3A_25 = arith.cmpi sge, %scan3A_23, %ge3A : i32
      %convert_element_type3A = arith.extui %ge3A_25 : i1 to i32
      %cond3A = arith.constant 0 : i32
      %cond3A_26 = arith.cmpi ne, %convert_element_type3A, %cond3A : i32
      scf.if %cond3A_26 {
        %sub3A = arith.constant 4 : i32
        %sub3A_62 = arith.subi %scan3A_23, %sub3A : i32
        %rem3A_63 = arith.constant 8 : i32
        %rem3A_64 = arith.remsi %sub3A_62, %rem3A_63 : i32
        %dma_wait3A_65 = arith.constant 0 : i32
        %dma_wait3A_66 = tpu.memref_slice %arg5[%rem3A_64, %dma_wait3A_65] : memref<8x4000xi32, #tpu.memory_space<vmem>> -> memref<1x4000xi32, #tpu.memory_space<vmem>>
        %dma_wait3A_67 = tpu.memref_squeeze %dma_wait3A_66 : memref<1x4000xi32, #tpu.memory_space<vmem>> -> memref<4000xi32, #tpu.memory_space<vmem>>
        %dma_wait3A_68 = arith.constant 0 : i32
        %dma_wait3A_69 = tpu.memref_slice %arg6[%rem3A_64, %dma_wait3A_68] : memref<8x4000xi32, #tpu.memory_space<vmem>> -> memref<1x4000xi32, #tpu.memory_space<vmem>>
        %dma_wait3A_70 = tpu.memref_squeeze %dma_wait3A_69 : memref<1x4000xi32, #tpu.memory_space<vmem>> -> memref<4000xi32, #tpu.memory_space<vmem>>
        %dma_wait3A_71 = arith.constant 0 : i32
        %dma_wait3A_72 = tpu.memref_slice %arg4[%dma_wait3A_71] : memref<102400000xi32, #tpu.memory_space<hbm>> -> memref<102400000xi32, #tpu.memory_space<hbm>>
        tpu.wait_indirect_dma semaphore(%arg8 : memref<!tpu.dma_semaphore, #tpu.memory_space<semaphore_mem>>) src(%dma_wait3A_67 : memref<4000xi32, #tpu.memory_space<vmem>>) dst(%dma_wait3A_72 : memref<102400000xi32, #tpu.memory_space<hbm>>)
      } else {
      }
      %add3A_27 = arith.constant 4 : i32
      %add3A_28 = arith.addi %scan3A_23, %add3A_27 : i32
      %lt3A = arith.constant 25 : i32
      %lt3A_29 = arith.cmpi slt, %add3A_28, %lt3A : i32
      %convert_element_type3A_30 = arith.extui %lt3A_29 : i1 to i32
      %cond3A_31 = arith.constant 0 : i32
      %cond3A_32 = arith.cmpi ne, %convert_element_type3A_30, %cond3A_31 : i32
      scf.if %cond3A_32 {
        %add3A_62 = arith.constant 4 : i32
        %add3A_63 = arith.addi %scan3A_23, %add3A_62 : i32
        %rem3A_64 = arith.constant 8 : i32
        %rem3A_65 = arith.remsi %add3A_63, %rem3A_64 : i32
        %mul3A_66 = arith.constant 4000 : i32
        %mul3A_67 = arith.muli %add3A_63, %mul3A_66 : i32
        %add3A_68 = arith.addi %mul3A_2, %mul3A_67 : i32
        %dma_start3A_69 = arith.constant 0 : i32
        %dma_start3A_70 = tpu.memref_slice %arg5[%rem3A_65, %dma_start3A_69] : memref<8x4000xi32, #tpu.memory_space<vmem>> -> memref<1x4000xi32, #tpu.memory_space<vmem>>
        %dma_start3A_71 = tpu.memref_squeeze %dma_start3A_70 : memref<1x4000xi32, #tpu.memory_space<vmem>> -> memref<4000xi32, #tpu.memory_space<vmem>>
        %dma_start3A_72 = tpu.memref_slice %arg2[%add3A_68] : memref<3200000xi32, #tpu.memory_space<hbm>> -> memref<4000xi32, #tpu.memory_space<hbm>>
        %dma_start3A_73 = arith.constant 0 : i32
        %dma_start3A_74 = tpu.memref_slice %arg5[%rem3A_65, %dma_start3A_73] : memref<8x4000xi32, #tpu.memory_space<vmem>> -> memref<1x4000xi32, #tpu.memory_space<vmem>>
        %dma_start3A_75 = tpu.memref_squeeze %dma_start3A_74 : memref<1x4000xi32, #tpu.memory_space<vmem>> -> memref<4000xi32, #tpu.memory_space<vmem>>
        %dma_start3A_76 = tpu.memref_slice %arg2[%add3A_68] : memref<3200000xi32, #tpu.memory_space<hbm>> -> memref<4000xi32, #tpu.memory_space<hbm>>
        tpu.enqueue_dma source(%dma_start3A_76 : memref<4000xi32, #tpu.memory_space<hbm>>) target(%dma_start3A_75 : memref<4000xi32, #tpu.memory_space<vmem>>) target_semaphore(%arg7 : memref<!tpu.dma_semaphore, #tpu.memory_space<semaphore_mem>>)
        %dma_start3A_77 = arith.constant 0 : i32
        %dma_start3A_78 = tpu.memref_slice %arg6[%rem3A_65, %dma_start3A_77] : memref<8x4000xi32, #tpu.memory_space<vmem>> -> memref<1x4000xi32, #tpu.memory_space<vmem>>
        %dma_start3A_79 = tpu.memref_squeeze %dma_start3A_78 : memref<1x4000xi32, #tpu.memory_space<vmem>> -> memref<4000xi32, #tpu.memory_space<vmem>>
        %dma_start3A_80 = tpu.memref_slice %arg3[%add3A_68] : memref<3200000xi32, #tpu.memory_space<hbm>> -> memref<4000xi32, #tpu.memory_space<hbm>>
        %dma_start3A_81 = arith.constant 0 : i32
        %dma_start3A_82 = tpu.memref_slice %arg6[%rem3A_65, %dma_start3A_81] : memref<8x4000xi32, #tpu.memory_space<vmem>> -> memref<1x4000xi32, #tpu.memory_space<vmem>>
        %dma_start3A_83 = tpu.memref_squeeze %dma_start3A_82 : memref<1x4000xi32, #tpu.memory_space<vmem>> -> memref<4000xi32, #tpu.memory_space<vmem>>
        %dma_start3A_84 = tpu.memref_slice %arg3[%add3A_68] : memref<3200000xi32, #tpu.memory_space<hbm>> -> memref<4000xi32, #tpu.memory_space<hbm>>
        tpu.enqueue_dma source(%dma_start3A_84 : memref<4000xi32, #tpu.memory_space<hbm>>) target(%dma_start3A_83 : memref<4000xi32, #tpu.memory_space<vmem>>) target_semaphore(%arg7 : memref<!tpu.dma_semaphore, #tpu.memory_space<semaphore_mem>>)
      } else {
      }
      %rem3A = arith.constant 8 : i32
      %rem3A_33 = arith.remsi %scan3A_23, %rem3A : i32
      %mul3A_34 = arith.constant 4000 : i32
      %mul3A_35 = arith.muli %scan3A_23, %mul3A_34 : i32
      %add3A_36 = arith.addi %mul3A_2, %mul3A_35 : i32
      %dma_wait3A = arith.constant 0 : i32
      %dma_wait3A_37 = tpu.memref_slice %arg5[%rem3A_33, %dma_wait3A] : memref<8x4000xi32, #tpu.memory_space<vmem>> -> memref<1x4000xi32, #tpu.memory_space<vmem>>
      %dma_wait3A_38 = tpu.memref_squeeze %dma_wait3A_37 : memref<1x4000xi32, #tpu.memory_space<vmem>> -> memref<4000xi32, #tpu.memory_space<vmem>>
      %dma_wait3A_39 = tpu.memref_slice %arg2[%add3A_36] : memref<3200000xi32, #tpu.memory_space<hbm>> -> memref<4000xi32, #tpu.memory_space<hbm>>
      %dma_wait3A_40 = arith.constant 0 : i32
      %dma_wait3A_41 = tpu.memref_slice %arg5[%rem3A_33, %dma_wait3A_40] : memref<8x4000xi32, #tpu.memory_space<vmem>> -> memref<1x4000xi32, #tpu.memory_space<vmem>>
      %dma_wait3A_42 = tpu.memref_squeeze %dma_wait3A_41 : memref<1x4000xi32, #tpu.memory_space<vmem>> -> memref<4000xi32, #tpu.memory_space<vmem>>
      %dma_wait3A_43 = tpu.memref_slice %arg2[%add3A_36] : memref<3200000xi32, #tpu.memory_space<hbm>> -> memref<4000xi32, #tpu.memory_space<hbm>>
      tpu.wait_dma2 semaphore(%arg7 : memref<!tpu.dma_semaphore, #tpu.memory_space<semaphore_mem>>) src(%dma_wait3A_43 : memref<4000xi32, #tpu.memory_space<hbm>>) dst(%dma_wait3A_42 : memref<4000xi32, #tpu.memory_space<vmem>>)
      %dma_wait3A_44 = arith.constant 0 : i32
      %dma_wait3A_45 = tpu.memref_slice %arg6[%rem3A_33, %dma_wait3A_44] : memref<8x4000xi32, #tpu.memory_space<vmem>> -> memref<1x4000xi32, #tpu.memory_space<vmem>>
      %dma_wait3A_46 = tpu.memref_squeeze %dma_wait3A_45 : memref<1x4000xi32, #tpu.memory_space<vmem>> -> memref<4000xi32, #tpu.memory_space<vmem>>
      %dma_wait3A_47 = tpu.memref_slice %arg3[%add3A_36] : memref<3200000xi32, #tpu.memory_space<hbm>> -> memref<4000xi32, #tpu.memory_space<hbm>>
      %dma_wait3A_48 = arith.constant 0 : i32
      %dma_wait3A_49 = tpu.memref_slice %arg6[%rem3A_33, %dma_wait3A_48] : memref<8x4000xi32, #tpu.memory_space<vmem>> -> memref<1x4000xi32, #tpu.memory_space<vmem>>
      %dma_wait3A_50 = tpu.memref_squeeze %dma_wait3A_49 : memref<1x4000xi32, #tpu.memory_space<vmem>> -> memref<4000xi32, #tpu.memory_space<vmem>>
      %dma_wait3A_51 = tpu.memref_slice %arg3[%add3A_36] : memref<3200000xi32, #tpu.memory_space<hbm>> -> memref<4000xi32, #tpu.memory_space<hbm>>
      tpu.wait_dma2 semaphore(%arg7 : memref<!tpu.dma_semaphore, #tpu.memory_space<semaphore_mem>>) src(%dma_wait3A_51 : memref<4000xi32, #tpu.memory_space<hbm>>) dst(%dma_wait3A_50 : memref<4000xi32, #tpu.memory_space<vmem>>)
      %rem3A_52 = arith.constant 8 : i32
      %rem3A_53 = arith.remsi %scan3A_23, %rem3A_52 : i32
      %dma_start3A = arith.constant 0 : i32
      %dma_start3A_54 = tpu.memref_slice %arg5[%rem3A_53, %dma_start3A] : memref<8x4000xi32, #tpu.memory_space<vmem>> -> memref<1x4000xi32, #tpu.memory_space<vmem>>
      %dma_start3A_55 = tpu.memref_squeeze %dma_start3A_54 : memref<1x4000xi32, #tpu.memory_space<vmem>> -> memref<4000xi32, #tpu.memory_space<vmem>>
      %dma_start3A_56 = arith.constant 0 : i32
      %dma_start3A_57 = tpu.memref_slice %arg6[%rem3A_53, %dma_start3A_56] : memref<8x4000xi32, #tpu.memory_space<vmem>> -> memref<1x4000xi32, #tpu.memory_space<vmem>>
      %dma_start3A_58 = tpu.memref_squeeze %dma_start3A_57 : memref<1x4000xi32, #tpu.memory_space<vmem>> -> memref<4000xi32, #tpu.memory_space<vmem>>
      %dma_start3A_59 = arith.constant 0 : i32
      %dma_start3A_60 = tpu.memref_slice %arg4[%dma_start3A_59] : memref<102400000xi32, #tpu.memory_space<hbm>> -> memref<102400000xi32, #tpu.memory_space<hbm>>
      tpu.enqueue_indirect_dma source(%dma_start3A_55 : memref<4000xi32, #tpu.memory_space<vmem>>) target(%dma_start3A_60 : memref<102400000xi32, #tpu.memory_space<hbm>>) offsets(%dma_start3A_58 : memref<4000xi32, #tpu.memory_space<vmem>>) semaphore(%arg8 : memref<!tpu.dma_semaphore, #tpu.memory_space<semaphore_mem>>)
      %scan3A_61 = arith.constant 0 : i32
      scf.yield %scan3A_61 : i32
    }
    %scan3A_15 = arith.constant 25 : i32
    %scan3A_16 = arith.constant 0 : i32
    %scan3A_17 = arith.constant 21 : i32
    %scan3A_18 = arith.constant 4 : i32
    %scan3A_19 = arith.addi %scan3A_17, %scan3A_18 : i32
    %scan3A_20 = arith.constant 1 : i32
    %scan3A_21 = scf.for %scan3A_23 = %scan3A_17 to %scan3A_19 step %scan3A_20 iter_args(%scan3A_24 = %scan3A_16) -> (i32)  : i32 {
      %rem3A = arith.constant 8 : i32
      %rem3A_25 = arith.remsi %scan3A_23, %rem3A : i32
      %dma_wait3A = arith.constant 0 : i32
      %dma_wait3A_26 = tpu.memref_slice %arg5[%rem3A_25, %dma_wait3A] : memref<8x4000xi32, #tpu.memory_space<vmem>> -> memref<1x4000xi32, #tpu.memory_space<vmem>>
      %dma_wait3A_27 = tpu.memref_squeeze %dma_wait3A_26 : memref<1x4000xi32, #tpu.memory_space<vmem>> -> memref<4000xi32, #tpu.memory_space<vmem>>
      %dma_wait3A_28 = arith.constant 0 : i32
      %dma_wait3A_29 = tpu.memref_slice %arg6[%rem3A_25, %dma_wait3A_28] : memref<8x4000xi32, #tpu.memory_space<vmem>> -> memref<1x4000xi32, #tpu.memory_space<vmem>>
      %dma_wait3A_30 = tpu.memref_squeeze %dma_wait3A_29 : memref<1x4000xi32, #tpu.memory_space<vmem>> -> memref<4000xi32, #tpu.memory_space<vmem>>
      %dma_wait3A_31 = arith.constant 0 : i32
      %dma_wait3A_32 = tpu.memref_slice %arg4[%dma_wait3A_31] : memref<102400000xi32, #tpu.memory_space<hbm>> -> memref<102400000xi32, #tpu.memory_space<hbm>>
      tpu.wait_indirect_dma semaphore(%arg8 : memref<!tpu.dma_semaphore, #tpu.memory_space<semaphore_mem>>) src(%dma_wait3A_27 : memref<4000xi32, #tpu.memory_space<vmem>>) dst(%dma_wait3A_32 : memref<102400000xi32, #tpu.memory_space<hbm>>)
      %scan3A_33 = arith.constant 0 : i32
      scf.yield %scan3A_33 : i32
    }
    %scan3A_22 = arith.constant 4 : i32
    return
  }
}

module attributes {stable_mosaic.version = 14 : i64} {
  func.func @_pre_body(%arg0: i32, %arg1: memref<10000x10xf32, #tpu.memory_space<vmem>>, %arg2: memref<10x20xf32, #tpu.memory_space<vmem>>, %arg3: memref<10xf32, #tpu.memory_space<vmem>>, %arg4: memref<10000x16xf32, #tpu.memory_space<vmem>>, %arg5: memref<10000x10xf32, #tpu.memory_space<vmem>>) attributes {dimension_semantics = [#tpu.dimension_semantics<arbitrary>], iteration_bounds = array<i64: 10>, scalar_prefetch = 0 : i64, scratch_operands = 0 : i64, tpu.core_type = #tpu.core_type<tc>, window_params = [{transform_indices = @transform_0, window_bounds = array<i64: 10000, 10>}, {pipeline_mode = #tpu.pipeline_mode<synchronous>, transform_indices = @transform_1, window_bounds = array<i64: 10, 20>}, {pipeline_mode = #tpu.pipeline_mode<synchronous>, transform_indices = @transform_2, window_bounds = array<i64: 10>}, {transform_indices = @transform_3, window_bounds = array<i64: 10000, 16>}, {transform_indices = @transform_4, window_bounds = array<i64: 10000, 10>}]} {
    %get3A = arith.constant 0 : index
    %get3A_0 = arith.constant 0 : index
    %get3A_1 = vector.load %arg1[%get3A, %get3A_0] : memref<10000x10xf32, #tpu.memory_space<vmem>>, vector<10000x10xf32>
    %get3A_2 = arith.constant 0 : index
    %get3A_3 = arith.constant 0 : index
    %get3A_4 = vector.load %arg2[%get3A_2, %get3A_3] : memref<10x20xf32, #tpu.memory_space<vmem>>, vector<10x20xf32>
    %slice3A = vector.extract_strided_slice %get3A_4 {offsets = [0, 0], sizes = [10, 10], strides = [1, 1]} : vector<10x20xf32> to vector<10x10xf32>
    %slice3A_5 = vector.extract_strided_slice %get3A_4 {offsets = [0, 10], sizes = [10, 10], strides = [1, 1]} : vector<10x20xf32> to vector<10x10xf32>
    %transpose3A = tpu.transpose %slice3A_5, [1, 0] : vector<10x10xf32> -> vector<10x10xf32>
    %dot_general3A = arith.constant dense<0.000000e+00> : vector<10000x10xf32>
    %dot_general3A_6 = tpu.matmul %get3A_1, %transpose3A, %dot_general3A {dimension_numbers = #tpu.dot_dimension_numbers<[1], [0], [0], [1], [0, 0, 1, 1], [], []>, transpose_lhs_hint = false} : vector<10000x10xf32>, vector<10x10xf32>, vector<10000x10xf32> -> vector<10000x10xf32>
    %jit3A = arith.constant 0 : i32
    %convert_element_type3A = arith.sitofp %jit3A : i32 to f32
    %pad3A = vector.broadcast %convert_element_type3A : f32 to vector<10000x6xf32>
    %pad3A_7 = tpu.concatenate %dot_general3A_6, %pad3A in 1 : vector<10000x10xf32>, vector<10000x6xf32> -> vector<10000x16xf32>
    %swap3A = arith.constant 0 : index
    %swap3A_8 = arith.constant 0 : index
    %swap3A_9 = vector.load %arg4[%swap3A, %swap3A_8] : memref<10000x16xf32, #tpu.memory_space<vmem>>, vector<10000x16xf32>
    tpu.vector_store %arg4[%swap3A, %swap3A_8], %pad3A_7 {strides = array<i32>} : memref<10000x16xf32, #tpu.memory_space<vmem>>, vector<10000x16xf32>,
    %sub3A = arith.subf %slice3A, %slice3A_5 : vector<10x10xf32>
    %transpose3A_10 = tpu.transpose %sub3A, [1, 0] : vector<10x10xf32> -> vector<10x10xf32>
    %dot_general3A_11 = arith.constant dense<0.000000e+00> : vector<10000x10xf32>
    %dot_general3A_12 = tpu.matmul %get3A_1, %transpose3A_10, %dot_general3A_11 {dimension_numbers = #tpu.dot_dimension_numbers<[1], [0], [0], [1], [0, 0, 1, 1], [], []>, transpose_lhs_hint = false} : vector<10000x10xf32>, vector<10x10xf32>, vector<10000x10xf32> -> vector<10000x10xf32>
    %get3A_13 = arith.constant 0 : index
    %get3A_14 = vector.load %arg3[%get3A_13] : memref<10xf32, #tpu.memory_space<vmem>>, vector<10xf32>
    %broadcast_in_dim3A = vector.shape_cast %get3A_14 : vector<10xf32> to vector<1x10xf32>
    %add3A = vector.broadcast %broadcast_in_dim3A : vector<1x10xf32> to vector<10000x10xf32>
    %add3A_15 = arith.addf %dot_general3A_12, %add3A : vector<10000x10xf32>
    %swap3A_16 = arith.constant 0 : index
    %swap3A_17 = arith.constant 0 : index
    %swap3A_18 = vector.load %arg5[%swap3A_16, %swap3A_17] : memref<10000x10xf32, #tpu.memory_space<vmem>>, vector<10000x10xf32>
    tpu.vector_store %arg5[%swap3A_16, %swap3A_17], %add3A_15 {strides = array<i32>} : memref<10000x10xf32, #tpu.memory_space<vmem>>, vector<10000x10xf32>,
    return
  }
  func.func @transform_0(%arg0: i32) -> (i32, i32) {
    %c0_i32 = arith.constant 0 : i32
    %c0_i32_0 = arith.constant 0 : i32
    return %arg0, %c0_i32 : i32, i32
  }
  func.func @transform_1(%arg0: i32) -> (i32, i32) {
    %c0_i32 = arith.constant 0 : i32
    %c0_i32_0 = arith.constant 0 : i32
    %c0_i32_1 = arith.constant 0 : i32
    return %c0_i32, %c0_i32_0 : i32, i32
  }
  func.func @transform_2(%arg0: i32) -> i32 {
    %c0_i32 = arith.constant 0 : i32
    %c0_i32_0 = arith.constant 0 : i32
    return %c0_i32 : i32
  }
  func.func @transform_3(%arg0: i32) -> (i32, i32) {
    %c0_i32 = arith.constant 0 : i32
    %c0_i32_0 = arith.constant 0 : i32
    return %arg0, %c0_i32 : i32, i32
  }
  func.func @transform_4(%arg0: i32) -> (i32, i32) {
    %c0_i32 = arith.constant 0 : i32
    %c0_i32_0 = arith.constant 0 : i32
    return %arg0, %c0_i32 : i32, i32
  }
}

module attributes {stable_mosaic.version = 14 : i64} {
  func.func @_prep_body(%arg0: i32, %arg1: memref<1x1x6400xi32, #tpu.memory_space<vmem>>, %arg2: memref<1x1x6400xi32, #tpu.memory_space<vmem>>, %arg3: memref<1x1x6400xi32, #tpu.memory_space<vmem>>, %arg4: memref<1x1x6400xi32, #tpu.memory_space<vmem>>, %arg5: memref<32x128xi32, #tpu.memory_space<vmem>>, %arg6: memref<32x128xi32, #tpu.memory_space<vmem>>) attributes {dimension_semantics = [#tpu.dimension_semantics<arbitrary>], iteration_bounds = array<i64: 500>, scalar_prefetch = 0 : i64, scratch_operands = 1 : i64, tpu.core_type = #tpu.core_type<tc>, window_params = [{transform_indices = @transform_0, window_bounds = array<i64: 1, 1, 6400>}, {transform_indices = @transform_1, window_bounds = array<i64: 1, 1, 6400>}, {transform_indices = @transform_2, window_bounds = array<i64: 1, 1, 6400>}, {transform_indices = @transform_3, window_bounds = array<i64: 1, 1, 6400>}, {pipeline_mode = #tpu.pipeline_mode<synchronous>, transform_indices = @transform_4, window_bounds = array<i64: 32, 128>}]} {
    %eq3A = arith.constant 0 : i32
    %eq3A_0 = arith.cmpi eq, %arg0, %eq3A : i32
    %convert_element_type3A = arith.extui %eq3A_0 : i1 to i32
    %cond3A = arith.constant 0 : i32
    %cond3A_1 = arith.cmpi ne, %convert_element_type3A, %cond3A : i32
    scf.if %cond3A_1 {
      %broadcast_in_dim3A_141 = arith.constant 0 : i32
      %broadcast_in_dim3A_142 = vector.broadcast %broadcast_in_dim3A_141 : i32 to vector<32x128xi32>
      %swap3A_143 = arith.constant 0 : index
      %swap3A_144 = arith.constant 0 : index
      %swap3A_145 = vector.load %arg6[%swap3A_143, %swap3A_144] : memref<32x128xi32, #tpu.memory_space<vmem>>, vector<32x128xi32>
      tpu.vector_store %arg6[%swap3A_143, %swap3A_144], %broadcast_in_dim3A_142 {strides = array<i32>} : memref<32x128xi32, #tpu.memory_space<vmem>>, vector<32x128xi32>,
    } else {
    }
    %get3A = arith.constant 0 : index
    %get3A_2 = arith.constant 0 : index
    %get3A_3 = arith.constant 0 : index
    %get3A_4 = vector.load %arg1[%get3A, %get3A_2, %get3A_3] : memref<1x1x6400xi32, #tpu.memory_space<vmem>>, vector<1x1x6400xi32>
    %get3A_5 = vector.shape_cast %get3A_4 : vector<1x1x6400xi32> to vector<1x6400xi32>
    %get3A_6 = arith.constant 0 : index
    %get3A_7 = arith.constant 0 : index
    %get3A_8 = arith.constant 0 : index
    %get3A_9 = vector.load %arg2[%get3A_6, %get3A_7, %get3A_8] : memref<1x1x6400xi32, #tpu.memory_space<vmem>>, vector<1x1x6400xi32>
    %get3A_10 = vector.shape_cast %get3A_9 : vector<1x1x6400xi32> to vector<1x6400xi32>
    %convert_element_type3A_11 = arith.sitofp %get3A_5 : vector<1x6400xi32> to vector<1x6400xf32>
    %mul3A = arith.constant 3.19693092E-4 : f32
    %mul3A_12 = vector.broadcast %mul3A : f32 to vector<1x6400xf32>
    %mul3A_13 = arith.mulf %convert_element_type3A_11, %mul3A_12 : vector<1x6400xf32>
    %floor3A = math.floor %mul3A_13 : vector<1x6400xf32>
    %convert_element_type3A_14 = arith.fptosi %floor3A : vector<1x6400xf32> to vector<1x6400xi32>
    %mul3A_15 = arith.constant 3128 : i32
    %mul3A_16 = vector.broadcast %mul3A_15 : i32 to vector<1x6400xi32>
    %mul3A_17 = arith.muli %convert_element_type3A_14, %mul3A_16 : vector<1x6400xi32>
    %lt3A = arith.cmpi slt, %get3A_5, %mul3A_17 : vector<1x6400xi32>
    %convert_element_type3A_18 = arith.extui %lt3A : vector<1x6400xi1> to vector<1x6400xi32>
    %sub3A = arith.subi %convert_element_type3A_14, %convert_element_type3A_18 : vector<1x6400xi32>
    %add3A = arith.constant 1 : i32
    %add3A_19 = vector.broadcast %add3A : i32 to vector<1x6400xi32>
    %add3A_20 = arith.addi %sub3A, %add3A_19 : vector<1x6400xi32>
    %mul3A_21 = arith.constant 3128 : i32
    %mul3A_22 = vector.broadcast %mul3A_21 : i32 to vector<1x6400xi32>
    %mul3A_23 = arith.muli %add3A_20, %mul3A_22 : vector<1x6400xi32>
    %ge3A = arith.cmpi sge, %get3A_5, %mul3A_23 : vector<1x6400xi32>
    %convert_element_type3A_24 = arith.extui %ge3A : vector<1x6400xi1> to vector<1x6400xi32>
    %add3A_25 = arith.addi %sub3A, %convert_element_type3A_24 : vector<1x6400xi32>
    %mul3A_26 = arith.constant 3128 : i32
    %mul3A_27 = vector.broadcast %mul3A_26 : i32 to vector<1x6400xi32>
    %mul3A_28 = arith.muli %add3A_25, %mul3A_27 : vector<1x6400xi32>
    %sub3A_29 = arith.subi %get3A_5, %mul3A_28 : vector<1x6400xi32>
    %mul3A_30 = arith.constant 131072 : i32
    %mul3A_31 = vector.broadcast %mul3A_30 : i32 to vector<1x6400xi32>
    %mul3A_32 = arith.muli %sub3A_29, %mul3A_31 : vector<1x6400xi32>
    %add3A_33 = arith.addi %mul3A_32, %get3A_10 : vector<1x6400xi32>
    %swap3A = arith.constant 0 : index
    %swap3A_34 = arith.constant 0 : index
    %swap3A_35 = arith.constant 0 : index
    %swap3A_36 = vector.load %arg3[%swap3A, %swap3A_34, %swap3A_35] : memref<1x1x6400xi32, #tpu.memory_space<vmem>>, vector<1x1x6400xi32>
    %swap3A_37 = vector.shape_cast %swap3A_36 : vector<1x1x6400xi32> to vector<1x6400xi32>
    %swap3A_38 = vector.shape_cast %add3A_33 : vector<1x6400xi32> to vector<1x1x6400xi32>
    tpu.vector_store %arg3[%swap3A, %swap3A_34, %swap3A_35], %swap3A_38 {strides = array<i32>} : memref<1x1x6400xi32, #tpu.memory_space<vmem>>, vector<1x1x6400xi32>,
    %iota3A = tpu.iota {dimensions = array<i32: 0>} : vector<32x6400xi32>
    %eq3A_39 = vector.broadcast %add3A_25 : vector<1x6400xi32> to vector<32x6400xi32>
    %eq3A_40 = arith.cmpi eq, %eq3A_39, %iota3A : vector<32x6400xi32>
    %convert_element_type3A_41 = arith.extui %eq3A_40 : vector<32x6400xi1> to vector<32x6400xi32>
    %broadcast_in_dim3A = arith.constant 0 : i32
    %broadcast_in_dim3A_42 = vector.broadcast %broadcast_in_dim3A : i32 to vector<32x1xi32>
    %slice3A = vector.extract_strided_slice %convert_element_type3A_41 {offsets = [0, 0], sizes = [32, 6399], strides = [1, 1]} : vector<32x6400xi32> to vector<32x6399xi32>
    %concatenate3A = tpu.concatenate %broadcast_in_dim3A_42, %slice3A in 1 : vector<32x1xi32>, vector<32x6399xi32> -> vector<32x6400xi32>
    %add3A_43 = arith.addi %convert_element_type3A_41, %concatenate3A : vector<32x6400xi32>
    %broadcast_in_dim3A_44 = arith.constant 0 : i32
    %broadcast_in_dim3A_45 = vector.broadcast %broadcast_in_dim3A_44 : i32 to vector<32x2xi32>
    %slice3A_46 = vector.extract_strided_slice %add3A_43 {offsets = [0, 0], sizes = [32, 6398], strides = [1, 1]} : vector<32x6400xi32> to vector<32x6398xi32>
    %concatenate3A_47 = tpu.concatenate %broadcast_in_dim3A_45, %slice3A_46 in 1 : vector<32x2xi32>, vector<32x6398xi32> -> vector<32x6400xi32>
    %add3A_48 = arith.addi %add3A_43, %concatenate3A_47 : vector<32x6400xi32>
    %broadcast_in_dim3A_49 = arith.constant 0 : i32
    %broadcast_in_dim3A_50 = vector.broadcast %broadcast_in_dim3A_49 : i32 to vector<32x4xi32>
    %slice3A_51 = vector.extract_strided_slice %add3A_48 {offsets = [0, 0], sizes = [32, 6396], strides = [1, 1]} : vector<32x6400xi32> to vector<32x6396xi32>
    %concatenate3A_52 = tpu.concatenate %broadcast_in_dim3A_50, %slice3A_51 in 1 : vector<32x4xi32>, vector<32x6396xi32> -> vector<32x6400xi32>
    %add3A_53 = arith.addi %add3A_48, %concatenate3A_52 : vector<32x6400xi32>
    %broadcast_in_dim3A_54 = arith.constant 0 : i32
    %broadcast_in_dim3A_55 = vector.broadcast %broadcast_in_dim3A_54 : i32 to vector<32x8xi32>
    %slice3A_56 = vector.extract_strided_slice %add3A_53 {offsets = [0, 0], sizes = [32, 6392], strides = [1, 1]} : vector<32x6400xi32> to vector<32x6392xi32>
    %concatenate3A_57 = tpu.concatenate %broadcast_in_dim3A_55, %slice3A_56 in 1 : vector<32x8xi32>, vector<32x6392xi32> -> vector<32x6400xi32>
    %add3A_58 = arith.addi %add3A_53, %concatenate3A_57 : vector<32x6400xi32>
    %broadcast_in_dim3A_59 = arith.constant 0 : i32
    %broadcast_in_dim3A_60 = vector.broadcast %broadcast_in_dim3A_59 : i32 to vector<32x16xi32>
    %slice3A_61 = vector.extract_strided_slice %add3A_58 {offsets = [0, 0], sizes = [32, 6384], strides = [1, 1]} : vector<32x6400xi32> to vector<32x6384xi32>
    %concatenate3A_62 = tpu.concatenate %broadcast_in_dim3A_60, %slice3A_61 in 1 : vector<32x16xi32>, vector<32x6384xi32> -> vector<32x6400xi32>
    %add3A_63 = arith.addi %add3A_58, %concatenate3A_62 : vector<32x6400xi32>
    %broadcast_in_dim3A_64 = arith.constant 0 : i32
    %broadcast_in_dim3A_65 = vector.broadcast %broadcast_in_dim3A_64 : i32 to vector<32x32xi32>
    %slice3A_66 = vector.extract_strided_slice %add3A_63 {offsets = [0, 0], sizes = [32, 6368], strides = [1, 1]} : vector<32x6400xi32> to vector<32x6368xi32>
    %concatenate3A_67 = tpu.concatenate %broadcast_in_dim3A_65, %slice3A_66 in 1 : vector<32x32xi32>, vector<32x6368xi32> -> vector<32x6400xi32>
    %add3A_68 = arith.addi %add3A_63, %concatenate3A_67 : vector<32x6400xi32>
    %broadcast_in_dim3A_69 = arith.constant 0 : i32
    %broadcast_in_dim3A_70 = vector.broadcast %broadcast_in_dim3A_69 : i32 to vector<32x64xi32>
    %slice3A_71 = vector.extract_strided_slice %add3A_68 {offsets = [0, 0], sizes = [32, 6336], strides = [1, 1]} : vector<32x6400xi32> to vector<32x6336xi32>
    %concatenate3A_72 = tpu.concatenate %broadcast_in_dim3A_70, %slice3A_71 in 1 : vector<32x64xi32>, vector<32x6336xi32> -> vector<32x6400xi32>
    %add3A_73 = arith.addi %add3A_68, %concatenate3A_72 : vector<32x6400xi32>
    %broadcast_in_dim3A_74 = arith.constant 0 : i32
    %broadcast_in_dim3A_75 = vector.broadcast %broadcast_in_dim3A_74 : i32 to vector<32x128xi32>
    %slice3A_76 = vector.extract_strided_slice %add3A_73 {offsets = [0, 0], sizes = [32, 6272], strides = [1, 1]} : vector<32x6400xi32> to vector<32x6272xi32>
    %concatenate3A_77 = tpu.concatenate %broadcast_in_dim3A_75, %slice3A_76 in 1 : vector<32x128xi32>, vector<32x6272xi32> -> vector<32x6400xi32>
    %add3A_78 = arith.addi %add3A_73, %concatenate3A_77 : vector<32x6400xi32>
    %broadcast_in_dim3A_79 = arith.constant 0 : i32
    %broadcast_in_dim3A_80 = vector.broadcast %broadcast_in_dim3A_79 : i32 to vector<32x256xi32>
    %slice3A_81 = vector.extract_strided_slice %add3A_78 {offsets = [0, 0], sizes = [32, 6144], strides = [1, 1]} : vector<32x6400xi32> to vector<32x6144xi32>
    %concatenate3A_82 = tpu.concatenate %broadcast_in_dim3A_80, %slice3A_81 in 1 : vector<32x256xi32>, vector<32x6144xi32> -> vector<32x6400xi32>
    %add3A_83 = arith.addi %add3A_78, %concatenate3A_82 : vector<32x6400xi32>
    %broadcast_in_dim3A_84 = arith.constant 0 : i32
    %broadcast_in_dim3A_85 = vector.broadcast %broadcast_in_dim3A_84 : i32 to vector<32x512xi32>
    %slice3A_86 = vector.extract_strided_slice %add3A_83 {offsets = [0, 0], sizes = [32, 5888], strides = [1, 1]} : vector<32x6400xi32> to vector<32x5888xi32>
    %concatenate3A_87 = tpu.concatenate %broadcast_in_dim3A_85, %slice3A_86 in 1 : vector<32x512xi32>, vector<32x5888xi32> -> vector<32x6400xi32>
    %add3A_88 = arith.addi %add3A_83, %concatenate3A_87 : vector<32x6400xi32>
    %broadcast_in_dim3A_89 = arith.constant 0 : i32
    %broadcast_in_dim3A_90 = vector.broadcast %broadcast_in_dim3A_89 : i32 to vector<32x1024xi32>
    %slice3A_91 = vector.extract_strided_slice %add3A_88 {offsets = [0, 0], sizes = [32, 5376], strides = [1, 1]} : vector<32x6400xi32> to vector<32x5376xi32>
    %concatenate3A_92 = tpu.concatenate %broadcast_in_dim3A_90, %slice3A_91 in 1 : vector<32x1024xi32>, vector<32x5376xi32> -> vector<32x6400xi32>
    %add3A_93 = arith.addi %add3A_88, %concatenate3A_92 : vector<32x6400xi32>
    %broadcast_in_dim3A_94 = arith.constant 0 : i32
    %broadcast_in_dim3A_95 = vector.broadcast %broadcast_in_dim3A_94 : i32 to vector<32x2048xi32>
    %slice3A_96 = vector.extract_strided_slice %add3A_93 {offsets = [0, 0], sizes = [32, 4352], strides = [1, 1]} : vector<32x6400xi32> to vector<32x4352xi32>
    %concatenate3A_97 = tpu.concatenate %broadcast_in_dim3A_95, %slice3A_96 in 1 : vector<32x2048xi32>, vector<32x4352xi32> -> vector<32x6400xi32>
    %add3A_98 = arith.addi %add3A_93, %concatenate3A_97 : vector<32x6400xi32>
    %broadcast_in_dim3A_99 = arith.constant 0 : i32
    %broadcast_in_dim3A_100 = vector.broadcast %broadcast_in_dim3A_99 : i32 to vector<32x4096xi32>
    %slice3A_101 = vector.extract_strided_slice %add3A_98 {offsets = [0, 0], sizes = [32, 2304], strides = [1, 1]} : vector<32x6400xi32> to vector<32x2304xi32>
    %concatenate3A_102 = tpu.concatenate %broadcast_in_dim3A_100, %slice3A_101 in 1 : vector<32x4096xi32>, vector<32x2304xi32> -> vector<32x6400xi32>
    %add3A_103 = arith.addi %add3A_98, %concatenate3A_102 : vector<32x6400xi32>
    %sub3A_104 = arith.constant 1 : i32
    %sub3A_105 = vector.broadcast %sub3A_104 : i32 to vector<32x6400xi32>
    %sub3A_106 = arith.subi %add3A_103, %sub3A_105 : vector<32x6400xi32>
    %mul3A_107 = arith.muli %sub3A_106, %convert_element_type3A_41 : vector<32x6400xi32>
    %reduce_sum3A = arith.constant dense<0> : vector<6400xi32>
    %reduce_sum3A_108 = vector.multi_reduction <add>, %mul3A_107, %reduce_sum3A [0] : vector<32x6400xi32> to vector<6400xi32>
    %broadcast_in_dim3A_109 = vector.shape_cast %reduce_sum3A_108 : vector<6400xi32> to vector<1x6400xi32>
    %get3A_110 = arith.constant 0 : index
    %get3A_111 = arith.constant 0 : index
    %get3A_112 = vector.load %arg6[%get3A_110, %get3A_111] : memref<32x128xi32, #tpu.memory_space<vmem>>, vector<32x1xi32>
    %mul3A_113 = vector.broadcast %get3A_112 : vector<32x1xi32> to vector<32x6400xi32>
    %mul3A_114 = arith.muli %mul3A_113, %convert_element_type3A_41 : vector<32x6400xi32>
    %reduce_sum3A_115 = arith.constant dense<0> : vector<6400xi32>
    %reduce_sum3A_116 = vector.multi_reduction <add>, %mul3A_114, %reduce_sum3A_115 [0] : vector<32x6400xi32> to vector<6400xi32>
    %broadcast_in_dim3A_117 = vector.shape_cast %reduce_sum3A_116 : vector<6400xi32> to vector<1x6400xi32>
    %mul3A_118 = arith.constant 3200000 : i32
    %mul3A_119 = vector.broadcast %mul3A_118 : i32 to vector<1x6400xi32>
    %mul3A_120 = arith.muli %add3A_25, %mul3A_119 : vector<1x6400xi32>
    %add3A_121 = arith.addi %mul3A_120, %broadcast_in_dim3A_117 : vector<1x6400xi32>
    %add3A_122 = arith.addi %add3A_121, %broadcast_in_dim3A_109 : vector<1x6400xi32>
    %swap3A_123 = arith.constant 0 : index
    %swap3A_124 = arith.constant 0 : index
    %swap3A_125 = arith.constant 0 : index
    %swap3A_126 = vector.load %arg4[%swap3A_123, %swap3A_124, %swap3A_125] : memref<1x1x6400xi32, #tpu.memory_space<vmem>>, vector<1x1x6400xi32>
    %swap3A_127 = vector.shape_cast %swap3A_126 : vector<1x1x6400xi32> to vector<1x6400xi32>
    %swap3A_128 = vector.shape_cast %add3A_122 : vector<1x6400xi32> to vector<1x1x6400xi32>
    tpu.vector_store %arg4[%swap3A_123, %swap3A_124, %swap3A_125], %swap3A_128 {strides = array<i32>} : memref<1x1x6400xi32, #tpu.memory_space<vmem>>, vector<1x1x6400xi32>,
    %slice3A_129 = vector.extract_strided_slice %add3A_103 {offsets = [0, 6399], sizes = [32, 1], strides = [1, 1]} : vector<32x6400xi32> to vector<32x1xi32>
    %add3A_130 = arith.addi %get3A_112, %slice3A_129 : vector<32x1xi32>
    %broadcast_in_dim3A_131 = vector.shape_cast %add3A_130 : vector<32x1xi32> to vector<32x1xi32>
    %broadcast_in_dim3A_132 = vector.broadcast %broadcast_in_dim3A_131 : vector<32x1xi32> to vector<32x128xi32>
    %swap3A_133 = arith.constant 0 : index
    %swap3A_134 = arith.constant 0 : index
    %swap3A_135 = vector.load %arg6[%swap3A_133, %swap3A_134] : memref<32x128xi32, #tpu.memory_space<vmem>>, vector<32x128xi32>
    tpu.vector_store %arg6[%swap3A_133, %swap3A_134], %broadcast_in_dim3A_132 {strides = array<i32>} : memref<32x128xi32, #tpu.memory_space<vmem>>, vector<32x128xi32>,
    %broadcast_in_dim3A_136 = vector.shape_cast %add3A_130 : vector<32x1xi32> to vector<32x1xi32>
    %broadcast_in_dim3A_137 = vector.broadcast %broadcast_in_dim3A_136 : vector<32x1xi32> to vector<32x128xi32>
    %swap3A_138 = arith.constant 0 : index
    %swap3A_139 = arith.constant 0 : index
    %swap3A_140 = vector.load %arg5[%swap3A_138, %swap3A_139] : memref<32x128xi32, #tpu.memory_space<vmem>>, vector<32x128xi32>
    tpu.vector_store %arg5[%swap3A_138, %swap3A_139], %broadcast_in_dim3A_137 {strides = array<i32>} : memref<32x128xi32, #tpu.memory_space<vmem>>, vector<32x128xi32>,
    return
  }
  func.func @transform_0(%arg0: i32) -> (i32, i32, i32) {
    %c0_i32 = arith.constant 0 : i32
    %c0_i32_0 = arith.constant 0 : i32
    %c0_i32_1 = arith.constant 0 : i32
    return %arg0, %c0_i32, %c0_i32_0 : i32, i32, i32
  }
  func.func @transform_1(%arg0: i32) -> (i32, i32, i32) {
    %c0_i32 = arith.constant 0 : i32
    %c0_i32_0 = arith.constant 0 : i32
    %c0_i32_1 = arith.constant 0 : i32
    return %arg0, %c0_i32, %c0_i32_0 : i32, i32, i32
  }
  func.func @transform_2(%arg0: i32) -> (i32, i32, i32) {
    %c0_i32 = arith.constant 0 : i32
    %c0_i32_0 = arith.constant 0 : i32
    %c0_i32_1 = arith.constant 0 : i32
    return %arg0, %c0_i32, %c0_i32_0 : i32, i32, i32
  }
  func.func @transform_3(%arg0: i32) -> (i32, i32, i32) {
    %c0_i32 = arith.constant 0 : i32
    %c0_i32_0 = arith.constant 0 : i32
    %c0_i32_1 = arith.constant 0 : i32
    return %arg0, %c0_i32, %c0_i32_0 : i32, i32, i32
  }
  func.func @transform_4(%arg0: i32) -> (i32, i32) {
    %c0_i32 = arith.constant 0 : i32
    %c0_i32_0 = arith.constant 0 : i32
    %c0_i32_1 = arith.constant 0 : i32
    return %c0_i32, %c0_i32_0 : i32, i32
  }
}

module attributes {stable_mosaic.version = 14 : i64} {
  func.func @_post_body(%arg0: i32, %arg1: memref<10000x16xf32, #tpu.memory_space<vmem>>, %arg2: memref<10000x10xf32, #tpu.memory_space<vmem>>, %arg3: memref<10x10xf32, #tpu.memory_space<vmem>>, %arg4: memref<10xf32, #tpu.memory_space<vmem>>, %arg5: memref<10000x10xf32, #tpu.memory_space<vmem>>) attributes {dimension_semantics = [#tpu.dimension_semantics<arbitrary>], iteration_bounds = array<i64: 10>, scalar_prefetch = 0 : i64, scratch_operands = 0 : i64, tpu.core_type = #tpu.core_type<tc>, window_params = [{transform_indices = @transform_0, window_bounds = array<i64: 10000, 16>}, {transform_indices = @transform_1, window_bounds = array<i64: 10000, 10>}, {pipeline_mode = #tpu.pipeline_mode<synchronous>, transform_indices = @transform_2, window_bounds = array<i64: 10, 10>}, {pipeline_mode = #tpu.pipeline_mode<synchronous>, transform_indices = @transform_3, window_bounds = array<i64: 10>}, {transform_indices = @transform_4, window_bounds = array<i64: 10000, 10>}]} {
    %get3A = arith.constant 0 : index
    %get3A_0 = arith.constant 0 : index
    %get3A_1 = vector.load %arg1[%get3A, %get3A_0] : memref<10000x16xf32, #tpu.memory_space<vmem>>, vector<10000x16xf32>
    %slice3A = vector.extract_strided_slice %get3A_1 {offsets = [0, 0], sizes = [10000, 10], strides = [1, 1]} : vector<10000x16xf32> to vector<10000x10xf32>
    %eq3A = arith.constant 0xFF800000 : f32
    %eq3A_2 = vector.broadcast %eq3A : f32 to vector<10000x10xf32>
    %eq3A_3 = arith.cmpf oeq, %slice3A, %eq3A_2 : vector<10000x10xf32>
    %get3A_4 = arith.constant 0 : index
    %get3A_5 = arith.constant 0 : index
    %get3A_6 = vector.load %arg2[%get3A_4, %get3A_5] : memref<10000x10xf32, #tpu.memory_space<vmem>>, vector<10000x10xf32>
    %add3A = arith.addf %get3A_6, %slice3A : vector<10000x10xf32>
    %jit3A = arith.constant 0.000000e+00 : f32
    %broadcast_in_dim3A = vector.broadcast %jit3A : f32 to vector<10000x10xf32>
    %select_n3A = arith.select %eq3A_3, %broadcast_in_dim3A, %add3A : vector<10000x10xi1>, vector<10000x10xf32>
    %get3A_7 = arith.constant 0 : index
    %get3A_8 = arith.constant 0 : index
    %get3A_9 = vector.load %arg3[%get3A_7, %get3A_8] : memref<10x10xf32, #tpu.memory_space<vmem>>, vector<10x10xf32>
    %transpose3A = tpu.transpose %get3A_9, [1, 0] : vector<10x10xf32> -> vector<10x10xf32>
    %dot_general3A = arith.constant dense<0.000000e+00> : vector<10000x10xf32>
    %dot_general3A_10 = tpu.matmul %select_n3A, %transpose3A, %dot_general3A {dimension_numbers = #tpu.dot_dimension_numbers<[1], [0], [0], [1], [0, 0, 1, 1], [], []>, transpose_lhs_hint = false} : vector<10000x10xf32>, vector<10x10xf32>, vector<10000x10xf32> -> vector<10000x10xf32>
    %get3A_11 = arith.constant 0 : index
    %get3A_12 = vector.load %arg4[%get3A_11] : memref<10xf32, #tpu.memory_space<vmem>>, vector<10xf32>
    %broadcast_in_dim3A_13 = vector.shape_cast %get3A_12 : vector<10xf32> to vector<1x10xf32>
    %add3A_14 = vector.broadcast %broadcast_in_dim3A_13 : vector<1x10xf32> to vector<10000x10xf32>
    %add3A_15 = arith.addf %dot_general3A_10, %add3A_14 : vector<10000x10xf32>
    %swap3A = arith.constant 0 : index
    %swap3A_16 = arith.constant 0 : index
    %swap3A_17 = vector.load %arg5[%swap3A, %swap3A_16] : memref<10000x10xf32, #tpu.memory_space<vmem>>, vector<10000x10xf32>
    tpu.vector_store %arg5[%swap3A, %swap3A_16], %add3A_15 {strides = array<i32>} : memref<10000x10xf32, #tpu.memory_space<vmem>>, vector<10000x10xf32>,
    return
  }
  func.func @transform_0(%arg0: i32) -> (i32, i32) {
    %c0_i32 = arith.constant 0 : i32
    %c0_i32_0 = arith.constant 0 : i32
    return %arg0, %c0_i32 : i32, i32
  }
  func.func @transform_1(%arg0: i32) -> (i32, i32) {
    %c0_i32 = arith.constant 0 : i32
    %c0_i32_0 = arith.constant 0 : i32
    return %arg0, %c0_i32 : i32, i32
  }
  func.func @transform_2(%arg0: i32) -> (i32, i32) {
    %c0_i32 = arith.constant 0 : i32
    %c0_i32_0 = arith.constant 0 : i32
    %c0_i32_1 = arith.constant 0 : i32
    return %c0_i32, %c0_i32_0 : i32, i32
  }
  func.func @transform_3(%arg0: i32) -> i32 {
    %c0_i32 = arith.constant 0 : i32
    %c0_i32_0 = arith.constant 0 : i32
    return %c0_i32 : i32
  }
  func.func @transform_4(%arg0: i32) -> (i32, i32) {
    %c0_i32 = arith.constant 0 : i32
    %c0_i32_0 = arith.constant 0 : i32
    return %arg0, %c0_i32 : i32, i32
  }
}

</mosaic_0001>

<sc_bundles>
// kernel: kernel.10.cloned.1.call-start
scs
__scs_entry_jumppad:
0x0: {  	(pc) =	sbr.rel $0x88, $3  }
0x1: {  	(tag) =	ssettag $0x0;
	lr =	simm.s32 $0x1  }
0x2: {  	[smem:$0x3F9B] =	sst lr;
	_ =	strace $0xD0000000  }
0x3: {  	_ = 	snop  }
0x4: {  	_ = 	snop  }
0x5: {  	_ = 	snop  }
0x6: {  	_ = 	snop  }
0x7: {  	_ = 	snop  }
__scs_overlays_trampoline_lowered:
0x8: {  	[smem:$0x3FAA] =	sst s0  }
0x9: {  	[smem:$0x3FAB] =	sst s1  }
0xa: {  	[smem:$0x3FAC] =	sst s2  }
0xb: {  	[smem:$0x3FAD] =	sst s3  }
0xc: {  	[smem:$0x3FAE] =	sst s4  }
0xd: {  	[smem:$0x3FAF] =	sst s5  }
0xe: {  	[smem:$0x3FB0] =	sst s6  }
0xf: {  	[smem:$0x3FB1] =	sst s7  }
0x10: {  	[smem:$0x3FB2] =	sst s8  }
0x11: {  	[smem:$0x3FB3] =	sst s9;
	s0 =	simm.s32 @!p0 $0x0  }
0x12: {  	s1 =	sld [smem:$0x3F99];
	s0 =	simm.s32 @p0 $0x1  }
0x13: {  	[smem:$0x3FB4] =	sst s0;
	s0 =	simm.s32 @!p1 $0x0  }
0x14: {  	s2 =	sld [smem:$0x3F98];
	s0 =	simm.s32 @p1 $0x1  }
0x15: {  	[smem:$0x3FB5] =	sst s0;
	s0 =	simm.s32 @!p2 $0x0  }
0x16: {  	s3 =	sld [smem:$0x3FDB];
	s0 =	simm.s32 @p2 $0x1  }
0x17: {  	s4 =	simm.s32 $0x1BF5;
	[smem:$0x3FB7] =	sst s0  }
0x18: {  	s0 =	sld [smem:$0x3F9A];
	_ =	swait.ge [sflag:s4], $0x0  }
0x19: {  	s7 =	sld [smem:$0x3F9B]  }
0x1a: {  	s8 =	sadd.s32 $0xFFFFE003, lr  }
0x1b: {  	s9 =	sadd.s32 $0xFFFFFEF7, lr;
	s5 =	simm.s32 $0xFFFFFFFF;
	p2 =	slt.u32 s8, $0xFFFFF086  }
0x1c: {  	p1 =	slt.u32 s9, $0xF7A;
	s5 =	simm.s32 @!p2 $0x0  }
0x1d: {  	s5 =	simm.s32 @p1 $0x1;
	p0 =	seq.s32 s7, s2  }
0x1e: {  	s7 =	smul.u32 @!p0 $0xF7A, s2;
	p2 =	seq.s32 @!p0 s5, $0x0  }
0x1f: {  	s9 =	smul.u32 $0xF7A, s1;
	s8 =	simm.s32 @!p0 $0x1BF5;
	p2 =	por !p2, p0  }
0x20: {  	[sflag:s8] =	ssyncset.s32 @!p0 $0xFFFFF086;
	s6 =	sadd.s32 @!p0 s3, s7;
	s7 =	simm.s32 @!p0 $0x108  }
0x21: {  	s3 =	sadd.s32 s3, s9;
	s6 =	sadd.s32 @!p0 $0x88, s6;
	s7 =	simm.s32 @p2 $0x1082  }
0x22: {  	[simem:s7], [sflag:s8] =	dma.local @!p0 [hbm:s6], $0xF7A  }
0x23: {  	s9 =	sor.u32 $0xD0000000, s2;
	s6 =	simm.s32 $0x108;
	_ =	swait.ge @!p0 [sflag:s8], $0x0  }
0x24: {  	s3 =	sadd.s32 $0x88, s3;
	s6 =	simm.s32 @!p1 $0x1082;
	[sflag:s4] =	ssyncset.s32 $0xFFFFF086  }
0x25: {  	[simem:s6], [sflag:s4] =	dma.local [hbm:s3], $0xF7A  }
0x26: {  	[smem:$0x3F9B] =	sst s1;
	(tag) =	ssettag s2;
	_ =	strace s9  }
0x27: {  	s1 =	sld [smem:$0x3FAB]  }
0x28: {  	s2 =	sld [smem:$0x3FAC]  }
0x29: {  	s4 =	sld [smem:$0x3FAE]  }
0x2a: {  	p0 =	seq.s32 s5, $0x0;
	s5 =	sld [smem:$0x3FAF]  }
0x2b: {  	s6 =	sld [smem:$0x3FB0]  }
0x2c: {  	s7 =	sld [smem:$0x3FB1]  }
0x2d: {  	s3 =	simm.s32 $0x108;
	s8 =	sld [smem:$0x3FB2]  }
0x2e: {  	s3 =	simm.s32 @!p0 $0x1082;
	s9 =	sld [smem:$0x3FB3]  }
0x2f: {  	lr =	sadd.s32 s0, s3;
	s0 =	sld [smem:$0x3FAA]  }
0x30: {  	s3 =	sld [smem:$0x3FAD]  }
0x31: {  	[smem:$0x3FB6] =	sst s10  }
0x32: {  	s10 =	sld [smem:$0x3FB4];
	_ =	sdelay $0x3  }
0x33: {  	p0 =	seq.s32 s10, $0x1;
	s10 =	sld [smem:$0x3FB6];
	_ =	sdelay $0x3  }
0x34: {  	[smem:$0x3FB6] =	sst s10  }
0x35: {  	s10 =	sld [smem:$0x3FB5];
	_ =	sdelay $0x3  }
0x36: {  	p1 =	seq.s32 s10, $0x1;
	s10 =	sld [smem:$0x3FB6];
	_ =	sdelay $0x3  }
0x37: {  	[smem:$0x3FB6] =	sst s10  }
0x38: {  	s10 =	sld [smem:$0x3FB7]  }
0x39: {  	_ = 	snop;
	(pc) =	sbr.ind lr, $3  }
0x3a: {  	_ = 	snop  }
0x3b: {  	_ = 	snop  }
0x3c: {  	p2 =	seq.s32 s10, $0x1;
	s10 =	sld [smem:$0x3FB6]  }
0x3d: {  	_ =	shalt  }
0x3e: {  	_ =	shalt  }
0x3f: {  	_ =	shalt  }
0x40: {  	_ =	shalt  }
0x41: {  	_ =	shalt  }
0x42: {  	_ =	shalt  }
0x43: {  	_ =	shalt  }
0x44: {  	_ =	shalt  }
0x45: {  	_ =	shalt  }
0x46: {  	_ =	shalt  }
0x47: {  	_ =	shalt  }
0x48: {  	_ =	shalt  }
0x49: {  	_ =	shalt  }
0x4a: {  	_ =	shalt  }
0x4b: {  	_ =	shalt  }
0x4c: {  	_ =	shalt  }
0x4d: {  	_ =	shalt  }
0x4e: {  	_ =	shalt  }
0x4f: {  	_ =	shalt  }
0x50: {  	_ =	shalt  }
0x51: {  	_ =	shalt  }
0x52: {  	_ =	shalt  }
0x53: {  	_ =	shalt  }
0x54: {  	_ =	shalt  }
0x55: {  	_ =	shalt  }
0x56: {  	_ =	shalt  }
0x57: {  	_ =	shalt  }
0x58: {  	_ =	shalt  }
0x59: {  	_ =	shalt  }
0x5a: {  	_ =	shalt  }
0x5b: {  	_ =	shalt  }
0x5c: {  	_ =	shalt  }
0x5d: {  	_ =	shalt  }
0x5e: {  	_ =	shalt  }
0x5f: {  	_ =	shalt  }
0x60: {  	_ =	shalt  }
0x61: {  	_ =	shalt  }
0x62: {  	_ =	shalt  }
0x63: {  	_ =	shalt  }
0x64: {  	_ =	shalt  }
0x65: {  	_ =	shalt  }
0x66: {  	_ =	shalt  }
0x67: {  	_ =	shalt  }
0x68: {  	_ =	shalt  }
0x69: {  	_ =	shalt  }
0x6a: {  	_ =	shalt  }
0x6b: {  	_ =	shalt  }
0x6c: {  	_ =	shalt  }
0x6d: {  	_ =	shalt  }
0x6e: {  	_ =	shalt  }
0x6f: {  	_ =	shalt  }
0x70: {  	_ =	shalt  }
0x71: {  	_ =	shalt  }
0x72: {  	_ =	shalt  }
0x73: {  	_ =	shalt  }
0x74: {  	_ =	shalt  }
0x75: {  	_ =	shalt  }
0x76: {  	_ =	shalt  }
0x77: {  	_ =	shalt  }
0x78: {  	_ =	shalt  }
0x79: {  	_ =	shalt  }
0x7a: {  	_ =	shalt  }
0x7b: {  	_ =	shalt  }
0x7c: {  	_ =	shalt  }
0x7d: {  	_ =	shalt  }
0x7e: {  	_ =	shalt  }
0x7f: {  	_ =	shalt  }
0x80: {  	_ =	shalt  }
0x81: {  	_ =	shalt  }
0x82: {  	_ =	shalt  }
0x83: {  	_ =	shalt  }
0x84: {  	_ =	shalt  }
0x85: {  	_ =	shalt  }
0x86: {  	_ =	shalt  }
0x87: {  	_ =	shalt  }
.Lfunc_end0:
.L_simem_size_0:
called_computation.1_lowered:
.L_overlay_start_0:
0x88: {  	s2 =	sld [smem:$0x3FD9]  }
0x89: {  	s3 =	sld [smem:$0x3FFE];
	_ =	sdelay $0x1  }
0x8a: {  	s1 =	srdreg.scid  }
0x8b: {  	s0 =	sand.u32 $0x1, s1  }
0x8c: {  	s17 =	sshll.u32 s0, $0xA;
	s2 =	sadd.s32 s3, s2  }
0x8d: {  	s2 =	sadd.s32 s2, s17  }
0x8e: {  	[smem:$0x3FC2] =	sst s2  }
0x8f: {  	_ = 	snop  }
0x90: {  	s2 =	sld [smem:$0x3FD0];
	(tm) =	ssettm $0x1  }
0x91: {  	s18 =	sld [smem:$0x3FFB];
	_ =	sdelay $0x3  }
0x92: {  	_ =	strace s18  }
0x93: {  	s3 =	sld [smem:$0x3FFC];
	_ =	sdelay $0x3  }
0x94: {  	_ =	strace s3  }
0x95: {  	s3 =	sld [smem:$0x3FFD];
	_ =	sdelay $0x3  }
0x96: {  	_ =	strace s3  }
0x97: {  	_ =	strace $0x8FFFFFFF  }
0x98: {  	s19 =	sld [smem:$0x3FDB];
	_ =	sdelay $0x1  }
0x99: {  	s4 =	simm.s32 $_scs_section_size  }
0x9a: {  	s5 =	simm.s32 $_size__tile_overlayer_lowered;
	s6 =	simm.s32 $_tile_overlayer_lowered  }
0x9b: {  	s22 =	simm.s32 $0x1BFF;
	s21 =	sshll.u32 s6, $0x1;
	s3 =	sadd.s32 s4, s19  }
0x9c: {  	s7 =	simm.s32 $0x0;
	s20 =	sshll.u32 s5, $0x1;
	s5 =	sadd.s32 s21, s3  }
0x9d: {  	[timem:s7], [sflag:s22] =	dma.local [hbm:s5], s20  }
0x9e: {  	_ =	swait.ge [sflag:s22], s20  }
0x9f: {  	s4 =	ssub.s32 $0x0, s20;
	[sflag:s22] =	ssyncset.done $0x0  }
0xa0: {  	[sflag:s22] =	ssyncadd.s32 s4;
	_ =	sdelay $0x1  }
0xa1: {  	s23 =	simm.s32 $0x1B8B  }
0xa2: {  	_ =	swait.ge [sflag:s23], $0x1  }
0xa3: {  	[sflag:s23] =	ssyncset.done $0x0  }
0xa4: {  	s25 =	simm.s32 $0x1B8E;
	s24 =	sld [smem:$0x3FFE];
	[sflag:s23] =	ssyncadd.s32 $0xFFFFFFFF  }
0xa5: {  	s26 =	simm.s32 $execute0_lowered;
	[smem:$0x3FD2] =	sst s25  }
0xa6: {  	s5 =	sshll.u32 s26, $0x1;
	_ =	strace $0x80000049;
	[dreg:$0x1] =	wrdreg $0xFFFFFFFF  }
0xa7: {  	s28 =	simm.s32 $_size_execute0_lowered;
	s3 =	sadd.s32 s3, s5;
	[dreg:$0x0] =	wrdreg $0x0  }
0xa8: {  	s5 =	sshll.u32 s28, $0x1;
	[dreg:$0x2] =	wrdreg s3  }
0xa9: {  	[dreg:$0x3] =	wrdreg s5  }
0xaa: {  	[dreg:$0x4] =	wrdreg $0xC0  }
0xab: {  	_ =	task [dreg:s7], $0x5FFFF  }
0xac: {  	[dreg:$0x1] =	wrdreg $0xFFFFFFFF  }
0xad: {  	[dreg:$0x0] =	wrdreg $0x60  }
0xae: {  	[dreg:$0x2] =	wrdreg s24  }
0xaf: {  	[dreg:$0x3] =	wrdreg s2  }
0xb0: {  	[dreg:$0x4] =	wrdreg $0x9  }
0xb1: {  	_ =	task.clear_ibuf [dreg:s7], $0x5FFFF;
	_ =	strace $0x90000049  }
0xb2: {  	s29 =	simm.s32 $0x9;
	_ =	strace $0x8000004B  }
0xb3: {  	_ =	swait.ge [sflag:s29], $0x1  }
0xb4: {  	[sflag:s29] =	ssyncadd.s32 $0xFFFFFFFF  }
0xb5: {  	_ =	strace $0x9000004B  }
0xb6: {  	_ =	sfence  }
0xb7: {  	s30 =	sld [smem:$0x0];
	_ =	sdelay $0x2  }
0xb8: {  	s31 =	sshll.u32 s1, $0xD;
	s1 =	sshrl.u32 s1, $0x2  }
0xb9: {  	s3 =	sand.u32 $0x4000, s31;
	s1 =	sadd.s32 s1, s30  }
0xba: {  	s0 =	sor.u32 s3, s0;
	s1 =	sshll.u32 s1, $0x11  }
0xbb: {  	s0 =	sor.u32 s1, s0  }
0xbc: {  	s0 =	sadd.s32 $0x8F2B, s0  }
0xbd: {  	[sflag:s0] =	ssyncadd.remote.s32 $0x1  }
0xbe: {  	_ =	sfence.sel $0xFFFF  }
0xbf: {  	[dreg:$0x0] =	wrdreg $0xFFFFFFFF;
	(pc) =	sbr.abs _section_cstart, $3  }
0xc0: {  	[dreg:$0x1] =	wrdreg $0xFFFFFFFF  }
0xc1: {  	_ =	task.clear_ibuf [dreg:s7], $0x2FFFF;
	_ =	strace $0x9FFFFFFF  }
0xc2: {  	(tm) =	ssettm $0x7FFFFFFF  }
0xc3: {  	_ =	shalt  }
tec
execute0_lowered:
.L_overlay_start_1:
0x0: {  	(tag) =	ssettag $0x1  }
0x1: {  	s7 =	rddreg [dreg:$0x0]  }
0x2: {  	s2 =	rddreg [dreg:$0x1]  }
0x3: {  	s0 =	rddreg [dreg:$0x2]  }
0x4: {  	s4 =	srdreg.scid;
	s1 =	stileid.u32  }
0x5: {  	s3 =	simm.s32 $0x0;
	s11 =	simm.s32 $0x1;
	s12 =	simm.s32 $0x400  }
0x6: {  	s13 =	simm.s32 $0x410;
	s14 =	simm.s32 $0x4810;
	s15 =	simm.s32 $0x2  }
0x7: {  	s16 =	simm.s32 $0x0;
	s5 =	sand.u32 $0x1, s4;
	s31 =	sshll.u32 s1, $0x1  }
.Ltmp0:
0x8: {  	[smem:$0x7FF] =	sst s3;
	s4 =	sor.u32 s5, s31;
	(pc) =	sbr.rel .LBB2_1-.Ltmp0, $4  }
0x9: {  	s6 =	sadd.s32 $0x63600, s7;
	s9 =	ssub.s32 $0x2, s5;
	s8 =	smul.u32 $0x1870, s4  }
0xa: {  	_ =	strace $0x8000004A;
	s5 =	sadd.s32 $0x126E00, s7;
	s10 =	sshrl.u32 s9, $0x1  }
0xb: {  	s9 =	ssub.s32 s9, s10;
	s10 =	simm.s32 $0x10B90;
	s8 =	sadd.s32 s8, s7  }
0xc: {  	v0 =	vimm.f32 $-Inf;
	v1 =	vlaneseq.u32;
	s7 =	smul.u32 $0x30D400, s4;
	s9 =	smax.u32 s9, $0x1;
	s8 =	sadd.s32 $0x1A00, s8  }
.LBB2_14:
0xd: {  	s16 =	sadd.s32 $0x1, s16  }
0xe: {  	p0 =	sne.s32 s16, s9  }
.Ltmp1:
0xf: {  	_ = 	snop;
	(pc) =	sbr.rel @!p0 .LBB2_15-.Ltmp1, $4  }
0x10: {  	[hbm4b:s8+s3] =	stream.linear.scatter [tilespmem:s14], [sflag:$0x2], $0xC380, $0x38;
	[tilespmem:$0x10BC0] =	vst v63  }
0x11: {  	_ =	swait.ge [sflag:s15], $0xC380  }
0x12: {  	[sflag:s15] =	ssyncset.done $0x0  }
0x13: {  	[sflag:s15] =	ssyncadd.s32 $0xFFFF3C80  }
.LBB2_1:
0x14: {  	s17 =	simm.s32 $0x40;
	s18 =	simm.s32 $0x0  }
.LBB2_2:
0x15: {  	p0 =	sne.s32 s17, $0x30DC0;
	[tilespmem:s18+$0x4810] =	vst v0;
	s18 =	smov.u32 s17;
	s17 =	sadd.s32 $0x40, s17  }
.Ltmp2:
0x16: {  	(pc) =	sbr.rel @p0 .LBB2_2-.Ltmp2, $2  }
0x17: {  	_ =	sdelay $0x2  }
0x18: {  	s18 =	sshra.s32 s18, $0x2  }
0x19: {  	[tilespmem:s18+$0x4810] =	vst v0;
	s17 =	simm.s32 $0x0  }
0x1a: {  	[tilespmem:s10], [sflag:$0x1] =	stream.linear.gather [hbm4b:s6+s17], $0x30, $0x38;
	[tilespmem:$0x10BC0] =	vst v63  }
0x1b: {  	_ =	swait.ge [sflag:s11], $0x30  }
0x1c: {  	[sflag:s11] =	ssyncset.done $0x0  }
0x1d: {  	[sflag:s11] =	ssyncadd.s32 $0xFFFFFFD0  }
0x1e: {  	v2 =	vld [tilespmem:s4+$0x10B90];
	_ =	sdelay $0x4  }
0x1f: {  	(v2sf) =	vpush v2, $0x0;
	_ =	sdelay $0xe  }
0x20: {  	s18 =	spop (v2sf)  }
0x21: {  	s19 =	sadd.s32 $0x3FF, s18  }
0x22: {  	s20 =	sand.u32 $0x3FF, s19  }
0x23: {  	s21 =	sshra.s32 s19, $0x1F;
	p0 =	slt.s32 s19, $0x1;
	p1 =	sne.s32 s20, $0x0  }
0x24: {  	s31 =	sshrl.u32 s21, $0x16;
	p0 =	por !p0, !p1  }
0x25: {  	s20 =	simm.s32 $0x1;
	s19 =	sadd.s32 s31, s19;
	p0 =	por !p0, !p0  }
0x26: {  	s19 =	sshra.s32 s19, $0xA;
	s20 =	simm.s32 @!p0 $0x0  }
0x27: {  	s19 =	ssub.s32 s19, s20  }
0x28: {  	p0 =	slt.s32 s19, $0x1  }
.Ltmp3:
0x29: {  	_ = 	snop;
	(pc) =	sbr.rel @!p0 .LBB2_4-.Ltmp3, $4  }
.Ltmp4:
0x2a: {  	_ = 	snop;
	(pc) =	sbr.rel @p0 .LBB2_14-.Ltmp4, $4  }
0x2b: {  	_ = 	snop  }
0x2c: {  	_ = 	snop  }
0x2d: {  	s21 =	simm.s32 $0x0;
	s20 =	smov.u32 s18  }
0x2e: {  	_ = 	snop  }
.LBB2_8:
0x2f: {  	s23 =	simm.s32 $0x810  }
.LBB2_12:
0x30: {  	(v2sf) =	vpush v2, $0x0;
	_ =	sdelay $0xe  }
0x31: {  	s23 =	sadd.s32 @p0 $0x10, s23;
	s24 =	spop (v2sf)  }
0x32: {  	s22 =	smov.u32 @p0 s23;
	s24 =	sshrl.u32 s24, $0xD  }
0x33: {  	v2 =	vld [tilespmem:s22+$0x0];
	s31 =	sand.u32 $0x7FFF0, s24  }
0x34: {  	v3 =	vld [tilespmem:s31+$0x4810];
	_ =	sdelay $0x4  }
0x35: {  	v2 =	vmax.f32 v3, v2  }
0x36: {  	[tilespmem:s31+$0x4810] =	vst v2  }
.LBB2_13:
0x37: {  	s21 =	sadd.s32 $0x1, s21  }
0x38: {  	p0 =	sne.s32 s21, s19  }
.Ltmp5:
0x39: {  	_ = 	snop;
	(pc) =	sbr.rel @!p0 .LBB2_14-.Ltmp5, $2  }
0x3a: {  	_ =	sdelay $0x2  }
0x3b: {  	s20 =	sadd.s32 $0xFFFFFC00, s20  }
.LBB2_4:
0x3c: {  	s22 =	sshll.u32 s21, $0xA  }
0x3d: {  	s23 =	sadd.s32 s7, s22  }
0x3e: {  	s23 =	sshrl.u32 s23, $0x3  }
0x3f: {  	s23 =	sadd.s32 s5, s23  }
0x40: {  	[tilespmem:s17], [sflag:$0x1] =	stream.linear.gather [hbm4b:s23+s17], $0x400, $0x38;
	[tilespmem:$0x10BC0] =	vst v63  }
0x41: {  	_ =	swait.ge [sflag:s11], $0x400  }
0x42: {  	[sflag:s11] =	ssyncset.done $0x0  }
0x43: {  	[sflag:s11] =	ssyncadd.s32 $0xFFFFFC00  }
0x44: {  	v3 =	vld [tilespmem:s17+$0x0]  }
0x45: {  	s23 =	ssub.s32 s18, s22  }
0x46: {  	p0 =	slt.s32 s23, $0x400;
	s22 =	smov.u32 s23  }
0x47: {  	s22 =	simm.s32 @!p0 $0x400  }
0x48: {  	v4 =	vor.u32 s17, v1;
	v2 =	vmov s22  }
0x49: {  	vm0 =	vlt.s32 v4, v2;
	v3 =	vand.u32 $0x1FFFF, v3  }
0x4a: {  	s24 =	smov.u32 s20;
	p0 =	sgt.s32 s20, $0x1;
	s22 =	simm.s32 $0x410;
	v3 =	vsel vm0, v3, v1  }
0x4b: {  	s25 =	simm.s32 $0x10;
	s24 =	simm.s32 @!p0 $0x1;
	[tilespmem:s22+$0x0] =	vst v3  }
0x4c: {  	s26 =	simm.s32 $0x20;
	s28 =	simm.s32 $0x10;
	s24 =	smin.u32 s24, $0x400;
	v3 =	vld [tilespmem:s25+$0x0]  }
.LBB2_5:
0x4d: {  	p0 =	sne.s32 s26, $0x3F0;
	_ =	sdelay $0x2  }
.Ltmp6:
0x4e: {  	v4 =	vor.u32 s25, v1;
	s25 =	smov.u32 s26;
	(pc) =	sbr.rel @p0 .LBB2_5-.Ltmp6, $4  }
0x4f: {  	vm0 =	vlt.s32 v4, v2;
	v3 =	vand.u32 $0x1FFFF, v3  }
0x50: {  	s22 =	sadd.s32 $0x10, s22;
	v3 =	vsel vm0, v3, v1  }
0x51: {  	s28 =	sadd.s32 $0x10, s28;
	[tilespmem:s22+$0x0] =	vst v3  }
0x52: {  	s26 =	sadd.s32 $0x10, s26;
	v3 =	vld [tilespmem:s28+$0x0]  }
0x53: {  	_ =	sdelay $0x2  }
0x54: {  	v4 =	vor.u32 s25, v1  }
0x55: {  	vm0 =	vlt.s32 v4, v2;
	v3 =	vand.u32 $0x1FFFF, v3  }
0x56: {  	s22 =	sadd.s32 $0x10, s22;
	p0 =	slt.s32 s23, $0x1;
	v2 =	vsel vm0, v3, v1  }
.Ltmp7:
0x57: {  	[tilespmem:s22+$0x0] =	vst v2;
	s22 =	simm.s32 $0x810;
	(pc) =	sbr.rel @p0 .LBB2_13-.Ltmp7, $4  }
0x58: {  	[tilespmem:s22], [sflag:$0x1] =	stream.indirect.gather [hbm4b:s2+s12], $0x10, s13, s12, $0xb8;
	[tilespmem:$0x10BC0] =	vst v63  }
0x59: {  	_ =	swait.ge [sflag:s11], $0x4000  }
0x5a: {  	[sflag:s11] =	ssyncset.done $0x0  }
0x5b: {  	s23 =	simm.s32 $0x0;
	[sflag:s11] =	ssyncadd.s32 $0xFFFFC000  }
0x5c: {  	p1 =	sne.s32 s24, $0x1  }
.Ltmp8:
0x5d: {  	v2 =	vld [tilespmem:s23+$0x0];
	(pc) =	sbr.rel @!p1 .LBB2_8-.Ltmp8, $2  }
0x5e: {  	_ =	sdelay $0x2  }
0x5f: {  	s25 =	sadd.s32 $0xFFFFFFFF, s24;
	p0 =	por $0x0, $0x0  }
0x60: {  	(v2sf) =	vpush v2, $0x0;
	_ =	sdelay $0xe  }
0x61: {  	s24 =	spop (v2sf)  }
0x62: {  	s24 =	sshrl.u32 s24, $0xD  }
0x63: {  	v2 =	vld [tilespmem:s22+$0x0];
	s24 =	sand.u32 $0x7FFF0, s24  }
0x64: {  	v3 =	vld [tilespmem:s24+$0x4810];
	_ =	sdelay $0x4  }
0x65: {  	v2 =	vmax.f32 v3, v2  }
0x66: {  	p1 =	sne.s32 s25, $0x1;
	[tilespmem:s24+$0x4810] =	vst v2;
	s24 =	sadd.s32 $0x1, s23  }
.Ltmp9:
0x67: {  	v2 =	vld [tilespmem:s24+$0x0];
	(pc) =	sbr.rel @!p1 .LBB2_10-.Ltmp9, $2  }
0x68: {  	_ =	sdelay $0x2  }
0x69: {  	s25 =	sadd.s32 $0xFFFFFFFF, s25;
	p0 =	por $0x1, $0x1;
	s23 =	simm.s32 $0x810  }
.LBB2_11:
0x6a: {  	p1 =	sne.s32 s25, $0x1;
	_ =	sdelay $0x3  }
0x6b: {  	(v2sf) =	vpush v2, $0x0;
	_ =	sdelay $0xe  }
0x6c: {  	s26 =	spop (v2sf)  }
0x6d: {  	s23 =	sadd.s32 $0x10, s23;
	s26 =	sshrl.u32 s26, $0xD  }
0x6e: {  	s26 =	sand.u32 $0x7FFF0, s26;
	v2 =	vld [tilespmem:s23+$0x0]  }
0x6f: {  	v3 =	vld [tilespmem:s26+$0x4810];
	_ =	sdelay $0x2  }
.Ltmp10:
0x70: {  	(pc) =	sbr.rel @p1 .LBB2_11-.Ltmp10, $4  }
0x71: {  	_ = 	snop  }
0x72: {  	v2 =	vmax.f32 v3, v2  }
0x73: {  	s24 =	sadd.s32 $0x1, s24;
	[tilespmem:s26+$0x4810] =	vst v2  }
0x74: {  	s25 =	sadd.s32 $0xFFFFFFFF, s25;
	v2 =	vld [tilespmem:s24+$0x0]  }
.Ltmp11:
0x75: {  	_ = 	snop;
	(pc) =	sbr.rel .LBB2_12-.Ltmp11, $1  }
0x76: {  	_ =	sdelay $0x3  }
.LBB2_10:
.Ltmp12:
0x77: {  	(pc) =	sbr.rel .LBB2_12-.Ltmp12, $2  }
0x78: {  	_ =	sdelay $0x2  }
0x79: {  	s23 =	simm.s32 $0x810  }
.LBB2_15:
0x7a: {  	_ =	sfence.sel $0x180000  }
0x7b: {  	[bflag:$0x0] =	sbarrier.arrive $0xFFFF  }
0x7c: {  	p0 =	sne.s32 s1, $0x0;
	_ =	strace $0x9000004A  }
0x7d: {  	s0 =	sadd.s32 @!p0 $0x100000, s0;
	[bflag:$0x2] =	sbarrier.arrive $0xFFFF  }
0x7e: {  	[sflag:s0] =	ssyncadd.tile.s32 @!p0 $0x1;
	_ =	shalt  }
.Lfunc_end2:
_tile_overlayer_lowered:
.L_overlay_start_2:
0x7f: {  	(tag) =	ssettag $0x2  }
0x80: {  	s0 =	rddreg [dreg:$0x0];
	s2 =	stileid.u32  }
0x81: {  	s1 =	rddreg [dreg:$0x1];
	p0 =	sne.s32 s2, $0x0  }
0x82: {  	s3 =	rddreg [dreg:$0x2];
	[bflag:$0x3] =	sbarrier.arrive $0xFFFF;
	s2 =	simm.s32 @!p0 $0x1C02  }
0x83: {  	[timem:s3], [sflag:s2] =	dma.local @!p0 [hbm:s0], s1  }
0x84: {  	s0 =	simm.s32 @!p0 $0x2  }
0x85: {  	_ =	swait.ge @!p0 [sflag:s0], s1  }
0x86: {  	s1 =	ssub.s32 @!p0 $0x0, s1;
	[sflag:s0] =	ssyncset.done @!p0 $0x0  }
0x87: {  	[sflag:s0] =	ssyncadd.s32 @!p0 s1  }
0x88: {  	[bflag:$0x3] =	sbarrier.arrive $0xFFFF  }
0x89: {  	_ =	shalt  }

// kernel: kernel.7.cloned.1.call-start
scs
__scs_entry_jumppad:
0x0: {  	(pc) =	sbr.rel $0x88, $3  }
0x1: {  	(tag) =	ssettag $0x0;
	lr =	simm.s32 $0x1  }
0x2: {  	[smem:$0x3F9B] =	sst lr;
	_ =	strace $0xD0000000  }
0x3: {  	_ = 	snop  }
0x4: {  	_ = 	snop  }
0x5: {  	_ = 	snop  }
0x6: {  	_ = 	snop  }
0x7: {  	_ = 	snop  }
__scs_overlays_trampoline_lowered:
0x8: {  	[smem:$0x3FAA] =	sst s0  }
0x9: {  	[smem:$0x3FAB] =	sst s1  }
0xa: {  	[smem:$0x3FAC] =	sst s2  }
0xb: {  	[smem:$0x3FAD] =	sst s3  }
0xc: {  	[smem:$0x3FAE] =	sst s4  }
0xd: {  	[smem:$0x3FAF] =	sst s5  }
0xe: {  	[smem:$0x3FB0] =	sst s6  }
0xf: {  	[smem:$0x3FB1] =	sst s7  }
0x10: {  	[smem:$0x3FB2] =	sst s8  }
0x11: {  	[smem:$0x3FB3] =	sst s9;
	s0 =	simm.s32 @!p0 $0x0  }
0x12: {  	s1 =	sld [smem:$0x3F99];
	s0 =	simm.s32 @p0 $0x1  }
0x13: {  	[smem:$0x3FB4] =	sst s0;
	s0 =	simm.s32 @!p1 $0x0  }
0x14: {  	s2 =	sld [smem:$0x3F98];
	s0 =	simm.s32 @p1 $0x1  }
0x15: {  	[smem:$0x3FB5] =	sst s0;
	s0 =	simm.s32 @!p2 $0x0  }
0x16: {  	s3 =	sld [smem:$0x3FDB];
	s0 =	simm.s32 @p2 $0x1  }
0x17: {  	s4 =	simm.s32 $0x1BF5;
	[smem:$0x3FB7] =	sst s0  }
0x18: {  	s0 =	sld [smem:$0x3F9A];
	_ =	swait.ge [sflag:s4], $0x0  }
0x19: {  	s7 =	sld [smem:$0x3F9B]  }
0x1a: {  	s8 =	sadd.s32 $0xFFFFE003, lr  }
0x1b: {  	s9 =	sadd.s32 $0xFFFFFEF7, lr;
	s5 =	simm.s32 $0xFFFFFFFF;
	p2 =	slt.u32 s8, $0xFFFFF086  }
0x1c: {  	p1 =	slt.u32 s9, $0xF7A;
	s5 =	simm.s32 @!p2 $0x0  }
0x1d: {  	s5 =	simm.s32 @p1 $0x1;
	p0 =	seq.s32 s7, s2  }
0x1e: {  	s7 =	smul.u32 @!p0 $0xF7A, s2;
	p2 =	seq.s32 @!p0 s5, $0x0  }
0x1f: {  	s9 =	smul.u32 $0xF7A, s1;
	s8 =	simm.s32 @!p0 $0x1BF5;
	p2 =	por !p2, p0  }
0x20: {  	[sflag:s8] =	ssyncset.s32 @!p0 $0xFFFFF086;
	s6 =	sadd.s32 @!p0 s3, s7;
	s7 =	simm.s32 @!p0 $0x108  }
0x21: {  	s3 =	sadd.s32 s3, s9;
	s6 =	sadd.s32 @!p0 $0x88, s6;
	s7 =	simm.s32 @p2 $0x1082  }
0x22: {  	[simem:s7], [sflag:s8] =	dma.local @!p0 [hbm:s6], $0xF7A  }
0x23: {  	s9 =	sor.u32 $0xD0000000, s2;
	s6 =	simm.s32 $0x108;
	_ =	swait.ge @!p0 [sflag:s8], $0x0  }
0x24: {  	s3 =	sadd.s32 $0x88, s3;
	s6 =	simm.s32 @!p1 $0x1082;
	[sflag:s4] =	ssyncset.s32 $0xFFFFF086  }
0x25: {  	[simem:s6], [sflag:s4] =	dma.local [hbm:s3], $0xF7A  }
0x26: {  	[smem:$0x3F9B] =	sst s1;
	(tag) =	ssettag s2;
	_ =	strace s9  }
0x27: {  	s1 =	sld [smem:$0x3FAB]  }
0x28: {  	s2 =	sld [smem:$0x3FAC]  }
0x29: {  	s4 =	sld [smem:$0x3FAE]  }
0x2a: {  	p0 =	seq.s32 s5, $0x0;
	s5 =	sld [smem:$0x3FAF]  }
0x2b: {  	s6 =	sld [smem:$0x3FB0]  }
0x2c: {  	s7 =	sld [smem:$0x3FB1]  }
0x2d: {  	s3 =	simm.s32 $0x108;
	s8 =	sld [smem:$0x3FB2]  }
0x2e: {  	s3 =	simm.s32 @!p0 $0x1082;
	s9 =	sld [smem:$0x3FB3]  }
0x2f: {  	lr =	sadd.s32 s0, s3;
	s0 =	sld [smem:$0x3FAA]  }
0x30: {  	s3 =	sld [smem:$0x3FAD]  }
0x31: {  	[smem:$0x3FB6] =	sst s10  }
0x32: {  	s10 =	sld [smem:$0x3FB4];
	_ =	sdelay $0x3  }
0x33: {  	p0 =	seq.s32 s10, $0x1;
	s10 =	sld [smem:$0x3FB6];
	_ =	sdelay $0x3  }
0x34: {  	[smem:$0x3FB6] =	sst s10  }
0x35: {  	s10 =	sld [smem:$0x3FB5];
	_ =	sdelay $0x3  }
0x36: {  	p1 =	seq.s32 s10, $0x1;
	s10 =	sld [smem:$0x3FB6];
	_ =	sdelay $0x3  }
0x37: {  	[smem:$0x3FB6] =	sst s10  }
0x38: {  	s10 =	sld [smem:$0x3FB7]  }
0x39: {  	_ = 	snop;
	(pc) =	sbr.ind lr, $3  }
0x3a: {  	_ = 	snop  }
0x3b: {  	_ = 	snop  }
0x3c: {  	p2 =	seq.s32 s10, $0x1;
	s10 =	sld [smem:$0x3FB6]  }
0x3d: {  	_ =	shalt  }
0x3e: {  	_ =	shalt  }
0x3f: {  	_ =	shalt  }
0x40: {  	_ =	shalt  }
0x41: {  	_ =	shalt  }
0x42: {  	_ =	shalt  }
0x43: {  	_ =	shalt  }
0x44: {  	_ =	shalt  }
0x45: {  	_ =	shalt  }
0x46: {  	_ =	shalt  }
0x47: {  	_ =	shalt  }
0x48: {  	_ =	shalt  }
0x49: {  	_ =	shalt  }
0x4a: {  	_ =	shalt  }
0x4b: {  	_ =	shalt  }
0x4c: {  	_ =	shalt  }
0x4d: {  	_ =	shalt  }
0x4e: {  	_ =	shalt  }
0x4f: {  	_ =	shalt  }
0x50: {  	_ =	shalt  }
0x51: {  	_ =	shalt  }
0x52: {  	_ =	shalt  }
0x53: {  	_ =	shalt  }
0x54: {  	_ =	shalt  }
0x55: {  	_ =	shalt  }
0x56: {  	_ =	shalt  }
0x57: {  	_ =	shalt  }
0x58: {  	_ =	shalt  }
0x59: {  	_ =	shalt  }
0x5a: {  	_ =	shalt  }
0x5b: {  	_ =	shalt  }
0x5c: {  	_ =	shalt  }
0x5d: {  	_ =	shalt  }
0x5e: {  	_ =	shalt  }
0x5f: {  	_ =	shalt  }
0x60: {  	_ =	shalt  }
0x61: {  	_ =	shalt  }
0x62: {  	_ =	shalt  }
0x63: {  	_ =	shalt  }
0x64: {  	_ =	shalt  }
0x65: {  	_ =	shalt  }
0x66: {  	_ =	shalt  }
0x67: {  	_ =	shalt  }
0x68: {  	_ =	shalt  }
0x69: {  	_ =	shalt  }
0x6a: {  	_ =	shalt  }
0x6b: {  	_ =	shalt  }
0x6c: {  	_ =	shalt  }
0x6d: {  	_ =	shalt  }
0x6e: {  	_ =	shalt  }
0x6f: {  	_ =	shalt  }
0x70: {  	_ =	shalt  }
0x71: {  	_ =	shalt  }
0x72: {  	_ =	shalt  }
0x73: {  	_ =	shalt  }
0x74: {  	_ =	shalt  }
0x75: {  	_ =	shalt  }
0x76: {  	_ =	shalt  }
0x77: {  	_ =	shalt  }
0x78: {  	_ =	shalt  }
0x79: {  	_ =	shalt  }
0x7a: {  	_ =	shalt  }
0x7b: {  	_ =	shalt  }
0x7c: {  	_ =	shalt  }
0x7d: {  	_ =	shalt  }
0x7e: {  	_ =	shalt  }
0x7f: {  	_ =	shalt  }
0x80: {  	_ =	shalt  }
0x81: {  	_ =	shalt  }
0x82: {  	_ =	shalt  }
0x83: {  	_ =	shalt  }
0x84: {  	_ =	shalt  }
0x85: {  	_ =	shalt  }
0x86: {  	_ =	shalt  }
0x87: {  	_ =	shalt  }
.Lfunc_end0:
.L_simem_size_0:
called_computation_lowered:
.L_overlay_start_0:
0x88: {  	s2 =	sld [smem:$0x3FD9]  }
0x89: {  	s3 =	sld [smem:$0x3FFE];
	_ =	sdelay $0x1  }
0x8a: {  	s1 =	srdreg.scid  }
0x8b: {  	s0 =	sand.u32 $0x1, s1  }
0x8c: {  	s16 =	sshll.u32 s0, $0xA;
	s2 =	sadd.s32 s3, s2  }
0x8d: {  	s2 =	sadd.s32 s2, s16  }
0x8e: {  	[smem:$0x3FC2] =	sst s2  }
0x8f: {  	_ = 	snop  }
0x90: {  	(tm) =	ssettm $0x1  }
0x91: {  	s17 =	sld [smem:$0x3FFB];
	_ =	sdelay $0x3  }
0x92: {  	_ =	strace s17  }
0x93: {  	s2 =	sld [smem:$0x3FFC];
	_ =	sdelay $0x3  }
0x94: {  	_ =	strace s2  }
0x95: {  	s2 =	sld [smem:$0x3FFD];
	_ =	sdelay $0x3  }
0x96: {  	_ =	strace s2  }
0x97: {  	_ =	strace $0x8FFFFFFF  }
0x98: {  	s18 =	sld [smem:$0x3FDB];
	_ =	sdelay $0x1  }
0x99: {  	s19 =	simm.s32 $_scs_section_size  }
0x9a: {  	s4 =	simm.s32 $_size__tile_overlayer_lowered;
	s5 =	simm.s32 $_tile_overlayer_lowered  }
0x9b: {  	s22 =	simm.s32 $0x1BFF;
	s21 =	sshll.u32 s5, $0x1;
	s2 =	sadd.s32 s19, s18  }
0x9c: {  	s6 =	simm.s32 $0x0;
	s20 =	sshll.u32 s4, $0x1;
	s4 =	sadd.s32 s21, s2  }
0x9d: {  	[timem:s6], [sflag:s22] =	dma.local [hbm:s4], s20  }
0x9e: {  	_ =	swait.ge [sflag:s22], s20  }
0x9f: {  	s3 =	ssub.s32 $0x0, s20;
	[sflag:s22] =	ssyncset.done $0x0  }
0xa0: {  	[sflag:s22] =	ssyncadd.s32 s3;
	_ =	sdelay $0x1  }
0xa1: {  	s23 =	simm.s32 $0x1B8B  }
0xa2: {  	_ =	swait.ge [sflag:s23], $0x1  }
0xa3: {  	[sflag:s23] =	ssyncset.done $0x0  }
0xa4: {  	s25 =	simm.s32 $0x1B8E;
	s24 =	sld [smem:$0x3FFE];
	[sflag:s23] =	ssyncadd.s32 $0xFFFFFFFF  }
0xa5: {  	s26 =	simm.s32 $execute0_lowered;
	[smem:$0x3FD2] =	sst s25  }
0xa6: {  	s4 =	sshll.u32 s26, $0x1;
	_ =	strace $0x80000046;
	[dreg:$0x1] =	wrdreg $0xFFFFFFFF  }
0xa7: {  	s28 =	simm.s32 $_size_execute0_lowered;
	s2 =	sadd.s32 s2, s4;
	[dreg:$0x0] =	wrdreg $0x0  }
0xa8: {  	s4 =	sshll.u32 s28, $0x1;
	[dreg:$0x2] =	wrdreg s2  }
0xa9: {  	[dreg:$0x3] =	wrdreg s4  }
0xaa: {  	[dreg:$0x4] =	wrdreg $0xC0  }
0xab: {  	_ =	task [dreg:s6], $0x5FFFF  }
0xac: {  	[dreg:$0x1] =	wrdreg $0xFFFFFFFF  }
0xad: {  	[dreg:$0x0] =	wrdreg $0x60  }
0xae: {  	[dreg:$0x2] =	wrdreg s24  }
0xaf: {  	[dreg:$0x3] =	wrdreg $0x9  }
0xb0: {  	_ =	task.clear_ibuf [dreg:s6], $0x4FFFF;
	_ =	strace $0x90000046  }
0xb1: {  	s29 =	simm.s32 $0x9;
	_ =	strace $0x80000048  }
0xb2: {  	_ =	swait.ge [sflag:s29], $0x1  }
0xb3: {  	[sflag:s29] =	ssyncadd.s32 $0xFFFFFFFF  }
0xb4: {  	_ =	strace $0x90000048  }
0xb5: {  	_ =	sfence  }
0xb6: {  	s30 =	sld [smem:$0x0];
	_ =	sdelay $0x2  }
0xb7: {  	s31 =	sshll.u32 s1, $0xD;
	s1 =	sshrl.u32 s1, $0x2  }
0xb8: {  	s3 =	sand.u32 $0x4000, s31;
	s1 =	sadd.s32 s1, s30  }
0xb9: {  	s0 =	sor.u32 s3, s0;
	s1 =	sshll.u32 s1, $0x11  }
0xba: {  	s0 =	sor.u32 s1, s0  }
0xbb: {  	s0 =	sadd.s32 $0x8F2B, s0  }
0xbc: {  	[sflag:s0] =	ssyncadd.remote.s32 $0x1  }
0xbd: {  	_ =	sfence.sel $0xFFFF  }
0xbe: {  	[dreg:$0x0] =	wrdreg $0xFFFFFFFF;
	(pc) =	sbr.abs _section_cstart, $3  }
0xbf: {  	[dreg:$0x1] =	wrdreg $0xFFFFFFFF  }
0xc0: {  	_ =	task.clear_ibuf [dreg:s6], $0x2FFFF;
	_ =	strace $0x9FFFFFFF  }
0xc1: {  	(tm) =	ssettm $0x7FFFFFFF  }
tec
execute0_lowered:
.L_overlay_start_1:
0x0: {  	(tag) =	ssettag $0x1  }
0x1: {  	s3 =	rddreg [dreg:$0x0]  }
0x2: {  	s0 =	rddreg [dreg:$0x1]  }
0x3: {  	s2 =	simm.s32 $0x0;
	s4 =	srdreg.scid;
	s1 =	stileid.u32  }
0x4: {  	s17 =	simm.s32 $0x8CA0;
	s18 =	simm.s32 $0x1F40;
	s19 =	simm.s32 $0x9C40  }
0x5: {  	s20 =	simm.s32 $0x2EE0;
	s21 =	simm.s32 $0xABE0;
	s22 =	simm.s32 $0x1  }
0x6: {  	s23 =	simm.s32 $0x2;
	s24 =	simm.s32 $0x0;
	[smem:$0x7FF] =	sst s2  }
0x7: {  	s6 =	sand.u32 $0x1, s4;
	s28 =	sshll.u32 s1, $0x1;
	s10 =	smul.u32 $0x30D40, s1  }
0x8: {  	s14 =	sadd.s32 $0x1A00, s3;
	s4 =	sor.u32 s6, s28;
	s12 =	smul.u32 $0x186A0, s6  }
0x9: {  	s13 =	sadd.s32 $0xC5200, s3;
	s5 =	ssub.s32 $0x2, s6;
	s8 =	smul.u32 $0x186A0, s4  }
0xa: {  	s3 =	sadd.s32 $0x126E00, s3;
	_ =	strace $0x80000047;
	s7 =	sshrl.u32 s5, $0x1  }
0xb: {  	s29 =	ssub.s32 s5, s7;
	s12 =	sadd.s32 s12, s10;
	s11 =	sshrl.u32 s8, $0x3  }
0xc: {  	s4 =	smax.u32 s29, $0x1;
	s16 =	sadd.s32 $0x3E80, s12;
	s5 =	sadd.s32 s14, s11  }
0xd: {  	s8 =	sadd.s32 $0x1F4, s11;
	s6 =	sadd.s32 s13, s11;
	s15 =	sadd.s32 $0x3E8, s11  }
0xe: {  	s30 =	sadd.s32 $0x5DC, s11;
	s31 =	sshrl.u32 s16, $0x3;
	s16 =	simm.s32 $0xFA0  }
0xf: {  	s7 =	sadd.s32 s14, s8;
	s8 =	sadd.s32 s13, s8;
	s9 =	sadd.s32 s14, s15  }
0x10: {  	s10 =	sadd.s32 s13, s15;
	s11 =	sadd.s32 s14, s30;
	s12 =	sadd.s32 s13, s30  }
0x11: {  	s13 =	sadd.s32 s31, s13;
	s14 =	sadd.s32 s31, s14;
	s15 =	simm.s32 $0x7D00  }
.LBB2_1:
0x12: {  	[tilespmem:s2], [sflag:$0x1] =	stream.linear.gather [hbm4b:s5+s2], $0xFA0, $0x38;
	[tilespmem:$0xFA00] =	vst v63  }
0x13: {  	_ = 	snop  }
0x14: {  	[tilespmem:s15], [sflag:$0x1] =	stream.linear.gather [hbm4b:s6+s2], $0xFA0, $0x38;
	[tilespmem:$0xFA00] =	vst v63  }
0x15: {  	_ = 	snop  }
0x16: {  	[tilespmem:s16], [sflag:$0x1] =	stream.linear.gather [hbm4b:s7+s2], $0xFA0, $0x38;
	[tilespmem:$0xFA00] =	vst v63  }
0x17: {  	_ = 	snop  }
0x18: {  	[tilespmem:s17], [sflag:$0x1] =	stream.linear.gather [hbm4b:s8+s2], $0xFA0, $0x38;
	[tilespmem:$0xFA00] =	vst v63  }
0x19: {  	_ = 	snop  }
0x1a: {  	[tilespmem:s18], [sflag:$0x1] =	stream.linear.gather [hbm4b:s9+s2], $0xFA0, $0x38;
	[tilespmem:$0xFA00] =	vst v63  }
0x1b: {  	_ = 	snop  }
0x1c: {  	[tilespmem:s19], [sflag:$0x1] =	stream.linear.gather [hbm4b:s10+s2], $0xFA0, $0x38;
	[tilespmem:$0xFA00] =	vst v63  }
0x1d: {  	_ = 	snop  }
0x1e: {  	[tilespmem:s20], [sflag:$0x1] =	stream.linear.gather [hbm4b:s11+s2], $0xFA0, $0x38;
	[tilespmem:$0xFA00] =	vst v63  }
0x1f: {  	s25 =	smov.u32 s14;
	s26 =	smov.u32 s13;
	s28 =	simm.s32 $0x0  }
0x20: {  	[tilespmem:s21], [sflag:$0x1] =	stream.linear.gather [hbm4b:s12+s2], $0xFA0, $0x38;
	[tilespmem:$0xFA00] =	vst v63  }
.LBB2_2:
0x21: {  	p0 =	slt.u32 s28, $0x4  }
0x22: {  	s29 =	simm.s32 @!p0 $0x2  }
0x23: {  	p1 =	sgt.u32 @!p0 s28, $0x14;
	_ =	swait.ge @!p0 [sflag:s29], $0xFA0  }
0x24: {  	p1 =	por p0, !p1;
	[sflag:s29] =	ssyncset.done @!p0 $0x0  }
0x25: {  	[sflag:s29] =	ssyncadd.s32 @!p0 $0xFFFFF060;
	s29 =	sadd.s32 @p1 $0x4, s28  }
0x26: {  	s29 =	sand.u32 @p1 $0x7, s29  }
0x27: {  	s29 =	smul.u32 @p1 $0xFA0, s29;
	_ =	sdelay $0x1  }
0x28: {  	[tilespmem:s29], [sflag:$0x1] =	stream.linear.gather @p1 [hbm4b:s25+s2], $0xFA0, $0x38;
	[tilespmem:$0xFA00] =	vst v63  }
0x29: {  	s29 =	sadd.s32 @p1 $0x7D00, s29  }
0x2a: {  	[tilespmem:s29], [sflag:$0x1] =	stream.linear.gather @p1 [hbm4b:s26+s2], $0xFA0, $0x38;
	[tilespmem:$0xFA00] =	vst v63  }
0x2b: {  	s31 =	sand.u32 $0x7, s28;
	s28 =	sadd.s32 $0x1, s28;
	_ =	swait.ge [sflag:s22], $0xFA0  }
0x2c: {  	p0 =	sne.s32 s28, $0x19;
	[sflag:s22] =	ssyncset.done $0x0  }
.Ltmp0:
0x2d: {  	[sflag:s22] =	ssyncadd.s32 $0xFFFFF060;
	(pc) =	sbr.rel @p0 .LBB2_2-.Ltmp0, $4  }
0x2e: {  	s29 =	smul.u32 $0xFA0, s31;
	_ =	swait.ge [sflag:s22], $0xFA0  }
0x2f: {  	s25 =	sadd.s32 $0x1F4, s25;
	[sflag:s22] =	ssyncset.done $0x0  }
0x30: {  	s26 =	sadd.s32 $0x1F4, s26;
	s30 =	sadd.s32 $0x7D00, s29;
	[sflag:s22] =	ssyncadd.s32 $0xFFFFF060  }
0x31: {  	[hbm4b:s3+s16] =	stream.indirect.scatter [tilespmem:s29], [sflag:$0x2], $0x1, s30, s16, $0xb8;
	[tilespmem:$0xFA00] =	vst v63  }
0x32: {  	_ =	swait.ge [sflag:s23], $0xFA0  }
0x33: {  	[sflag:s23] =	ssyncset.done $0x0  }
0x34: {  	[sflag:s23] =	ssyncadd.s32 $0xFFFFF060  }
0x35: {  	_ =	swait.ge [sflag:s23], $0xFA0  }
0x36: {  	[sflag:s23] =	ssyncset.done $0x0  }
0x37: {  	s24 =	sadd.s32 $0x1, s24;
	[sflag:s23] =	ssyncadd.s32 $0xFFFFF060  }
0x38: {  	p0 =	sne.s32 s24, s4;
	_ =	swait.ge [sflag:s23], $0xFA0  }
.Ltmp1:
0x39: {  	[sflag:s23] =	ssyncset.done $0x0;
	(pc) =	sbr.rel @p0 .LBB2_1-.Ltmp1, $4  }
0x3a: {  	[sflag:s23] =	ssyncadd.s32 $0xFFFFF060  }
0x3b: {  	_ =	swait.ge [sflag:s23], $0xFA0  }
0x3c: {  	[sflag:s23] =	ssyncset.done $0x0  }
0x3d: {  	[sflag:s23] =	ssyncadd.s32 $0xFFFFF060  }
0x3e: {  	_ =	sfence.sel $0x180000  }
0x3f: {  	[bflag:$0x0] =	sbarrier.arrive $0xFFFF  }
0x40: {  	p0 =	sne.s32 s1, $0x0;
	_ =	strace $0x90000047  }
0x41: {  	s0 =	sadd.s32 @!p0 $0x100000, s0;
	[bflag:$0x2] =	sbarrier.arrive $0xFFFF  }
0x42: {  	[sflag:s0] =	ssyncadd.tile.s32 @!p0 $0x1;
	_ =	shalt  }
.Lfunc_end2:
_tile_overlayer_lowered:
.L_overlay_start_2:
0x43: {  	(tag) =	ssettag $0x2  }
0x44: {  	s0 =	rddreg [dreg:$0x0];
	s2 =	stileid.u32  }
0x45: {  	s1 =	rddreg [dreg:$0x1];
	p0 =	sne.s32 s2, $0x0  }
0x46: {  	s3 =	rddreg [dreg:$0x2];
	[bflag:$0x3] =	sbarrier.arrive $0xFFFF;
	s2 =	simm.s32 @!p0 $0x1C03  }
0x47: {  	[timem:s3], [sflag:s2] =	dma.local @!p0 [hbm:s0], s1  }
0x48: {  	s0 =	simm.s32 @!p0 $0x3  }
0x49: {  	_ =	swait.ge @!p0 [sflag:s0], s1  }
0x4a: {  	s1 =	ssub.s32 @!p0 $0x0, s1;
	[sflag:s0] =	ssyncset.done @!p0 $0x0  }
0x4b: {  	[sflag:s0] =	ssyncadd.s32 @!p0 s1  }
0x4c: {  	[bflag:$0x3] =	sbarrier.arrive $0xFFFF  }
0x4d: {  	_ =	shalt  }

</sc_bundles>
